<compile_context>
chip_gen: v7x
topology: tpu7x:2x2x1
jax: 0.10.2.dev20260603
libtpu: 0.0.44.dev20260713+nightly
codegen_flags: <defaults>
</compile_context>

<pallas_src>
import functools

import jax
import jax.numpy as jnp
from jax import lax
from jax.experimental import pallas as pl
from jax.experimental.pallas import tpu as pltpu
from jax.experimental.pallas import tpu_sc as plsc

GAMMA = 0.1
EPSILON = 0.1

NC = 2
NS = 16
K = 120
NI = 6
NG = 3
ZR = 80


@functools.cache
def _sc_mesh():
    return plsc.VectorSubcoreMesh(core_axis_name="core",
                                  subcore_axis_name="subcore",
                                  num_cores=NC, num_subcores=NS)


def _deg_body(npad, nch_deg, cols_hbm, ones_hbm, zeros_hbm, degp_hbm,
              cols_v, ones_v, zbuf, deg_sh):
    stripe = npad // NS
    c = lax.axis_index("core")
    s = lax.axis_index("subcore")
    pltpu.sync_copy(zeros_hbm, zbuf)
    pltpu.sync_copy(zbuf, deg_sh.at[pl.ds(s * stripe, stripe)])
    pltpu.sync_copy(cols_hbm.at[c, s], cols_v)
    pltpu.sync_copy(ones_hbm, ones_v)
    plsc.subcore_barrier()

    @pl.loop(0, nch_deg)
    def _(j):
        pltpu.sync_copy(ones_v.at[pl.ds(0, K)], deg_sh.at[cols_v.at[j]],
                        add=True)

    plsc.subcore_barrier()
    pltpu.sync_copy(deg_sh.at[pl.ds(s * stripe, stripe)], zbuf)
    pltpu.sync_copy(zbuf, degp_hbm.at[pl.ds(c * npad + s * stripe, stripe)])


def _gcn_body(npad, nch, zrows, xws_hbm, idx_hbm, zeros_hbm, gcn_hbm,
              ib, gb, acc_sh, isems, gsems, ssems):
    stripe = npad // NS
    ni = len(ib)
    ng = len(gb)
    c = lax.axis_index("core")
    s = lax.axis_index("subcore")
    pltpu.sync_copy(zeros_hbm, gb[0].at[pl.ds(0, zrows)])

    @pl.loop(0, stripe, step=zrows)
    def _(i):
        pltpu.sync_copy(gb[0].at[pl.ds(0, zrows)],
                        acc_sh.at[pl.ds(s * stripe + i, zrows)])

    plsc.subcore_barrier()

    for t in range(ni // 2):
        pltpu.async_copy(idx_hbm.at[c, s, t], ib[t], isems[t])

    @pl.loop(0, nch, step=ni)
    def _(j):
        for u in range(ni):
            t = j + u
            tg = (u + 1) % ng
            if u >= 3:
                pltpu.make_async_copy(gb[u % ng],
                                      acc_sh.at[ib[(u + 3) % ni].at[1]],
                                      ssems[u % ng]).wait()
            else:
                @pl.when(t >= 3)
                def _():
                    pltpu.make_async_copy(gb[u % ng],
                                          acc_sh.at[ib[(u + 3) % ni].at[1]],
                                          ssems[u % ng]).wait()
            nxt = t + ni // 2
            iu = (u + ni // 2) % ni

            @pl.when(nxt < nch)
            def _():
                pltpu.async_copy(idx_hbm.at[c, s, nxt], ib[iu], isems[iu])

            if u >= 2:
                pltpu.make_async_copy(xws_hbm.at[ib[(u - 2) % ni].at[0]],
                                      gb[tg], gsems[tg]).wait()
                pltpu.async_copy(gb[tg], acc_sh.at[ib[(u - 2) % ni].at[1]],
                                 ssems[tg], add=True)
            else:
                @pl.when(t >= 2)
                def _():
                    pltpu.make_async_copy(xws_hbm.at[ib[(u - 2) % ni].at[0]],
                                          gb[tg], gsems[tg]).wait()
                    pltpu.async_copy(gb[tg],
                                     acc_sh.at[ib[(u - 2) % ni].at[1]],
                                     ssems[tg], add=True)

            pltpu.make_async_copy(idx_hbm.at[c, s, t], ib[u % ni],
                                  isems[u % ni]).wait()
            pltpu.async_copy(xws_hbm.at[ib[u % ni].at[0]], gb[u % ng],
                             gsems[u % ng])

    pltpu.make_async_copy(gb[(nch - 3) % ng],
                          acc_sh.at[ib[(nch - 3) % ni].at[1]],
                          ssems[(nch - 3) % ng]).wait()
    for t in (nch - 2, nch - 1):
        pltpu.make_async_copy(xws_hbm.at[ib[t % ni].at[0]], gb[t % ng],
                              gsems[t % ng]).wait()
        pltpu.sync_copy(gb[t % ng], acc_sh.at[ib[t % ni].at[1]], add=True)

    plsc.subcore_barrier()

    @pl.loop(0, stripe, step=2 * zrows)
    def _(i):
        pltpu.sync_copy(acc_sh.at[pl.ds(s * stripe + i, zrows)],
                        gb[0].at[pl.ds(0, zrows)])
        pltpu.sync_copy(gb[0].at[pl.ds(0, zrows)],
                        gcn_hbm.at[c, pl.ds(s * stripe + i, zrows)])
        pltpu.sync_copy(acc_sh.at[pl.ds(s * stripe + i + zrows, zrows)],
                        gb[1].at[pl.ds(0, zrows)])
        pltpu.sync_copy(gb[1].at[pl.ds(0, zrows)],
                        gcn_hbm.at[c, pl.ds(s * stripe + i + zrows, zrows)])


def _dense_body(x_ref, wcat_ref, degp_ref, h2_ref, xws_ref):
    xb = x_ref[...]
    m = jnp.dot(xb, wcat_ref[...], preferred_element_type=jnp.float32)
    d = xb.shape[1]
    h2_ref[...] = m[:, d:]
    deg = degp_ref[:, 0:1] + degp_ref[:, 1:2]
    dis = jnp.where(deg > 0.0, lax.rsqrt(deg), 0.0)
    xw = m[:, :d] * dis
    half = d // 2
    xws_ref[0] = xw[:, :half]
    xws_ref[1] = xw[:, half:]


def _combine_body(x_ref, h2_ref, gcn_ref, degp_ref, bias_ref, o_ref):
    deg = degp_ref[:, 0:1] + degp_ref[:, 1:2]
    dis = jnp.where(deg > 0.0, lax.rsqrt(deg), 0.0)
    g = jnp.concatenate([gcn_ref[0], gcn_ref[1]], axis=1)
    h = h2_ref[...] + g * dis + bias_ref[...]
    o_ref[...] = x_ref[...] + EPSILON * jnp.tanh(h)


def kernel(x, edge_index, W, W_phi, bias):
    n, d = x.shape
    e = edge_index.shape[1]
    half = d // 2
    npad = ((n + 2 * ZR * NS - 1) // (2 * ZR * NS)) * (2 * ZR * NS)
    stripe = npad // NS
    nch = NI * ((e + NI * NS * K - 1) // (NI * NS * K))
    epad = NS * K * nch
    nch_deg = epad // (NC * NS * K)

    ei = edge_index.astype(jnp.int32)
    rows = jnp.concatenate([ei[0], jnp.zeros((epad - e,), jnp.int32)])
    cols = jnp.concatenate([ei[1],
                            jnp.full((epad - e,), npad - 1, jnp.int32)])
    rows3 = rows.reshape(NS, nch, K)
    cols3 = cols.reshape(NS, nch, K)
    idx_pack = jnp.stack(
        [jnp.stack([rows3, cols3], axis=2),
         jnp.stack([rows3 + n, cols3], axis=2)], axis=0)
    cols_deg = cols.reshape(NC, NS, nch_deg, K)

    ones128 = jnp.ones((128,), jnp.float32)
    zeros1 = jnp.zeros((stripe,), jnp.float32)
    zeros2 = jnp.zeros((ZR, half), jnp.float32)

    wcat = jnp.concatenate(
        [W_phi.T, (W - W.T - GAMMA * jnp.eye(d, dtype=x.dtype)).T], axis=1)

    deg_call = pl.kernel(
        functools.partial(_deg_body, npad, nch_deg),
        out_type=jax.ShapeDtypeStruct((NC * npad,), jnp.float32),
        mesh=_sc_mesh(),
        scratch_types=[
            pltpu.VMEM((nch_deg, K), jnp.int32),
            pltpu.VMEM((128,), jnp.float32),
            pltpu.VMEM((stripe,), jnp.float32),
            pltpu.VMEM_SHARED((npad,), jnp.float32),
        ],
    )
    degp = deg_call(cols_deg, ones128, zeros1)
    degp_t = degp.reshape(NC, npad).T

    nb = 10
    r = n // nb
    h2, xws = pl.pallas_call(
        _dense_body,
        grid=(nb,),
        in_specs=[
            pl.BlockSpec((r, d), lambda i: (i, 0)),
            pl.BlockSpec((d, 2 * d), lambda i: (0, 0)),
            pl.BlockSpec((r, 2), lambda i: (i, 0)),
        ],
        out_specs=[
            pl.BlockSpec((r, d), lambda i: (i, 0)),
            pl.BlockSpec((2, r, half), lambda i: (0, i, 0)),
        ],
        out_shape=[
            jax.ShapeDtypeStruct((n, d), jnp.float32),
            jax.ShapeDtypeStruct((2, n, half), jnp.float32),
        ],
    )(x, wcat, degp_t)

    gcn_call = pl.kernel(
        functools.partial(_gcn_body, npad, nch, ZR),
        out_type=jax.ShapeDtypeStruct((NC, npad, half), jnp.float32),
        mesh=_sc_mesh(),
        scratch_types=[
            [pltpu.VMEM((2, K), jnp.int32) for _ in range(NI)],
            [pltpu.VMEM((K, half), jnp.float32) for _ in range(NG)],
            pltpu.VMEM_SHARED((npad, half), jnp.float32),
            [pltpu.SemaphoreType.DMA for _ in range(NI)],
            [pltpu.SemaphoreType.DMA for _ in range(NG)],
            [pltpu.SemaphoreType.DMA for _ in range(NG)],
        ],
    )
    gcn = gcn_call(xws.reshape(2 * n, half), idx_pack, zeros2)

    out = pl.pallas_call(
        _combine_body,
        grid=(nb,),
        in_specs=[
            pl.BlockSpec((r, d), lambda i: (i, 0)),
            pl.BlockSpec((r, d), lambda i: (i, 0)),
            pl.BlockSpec((2, r, half), lambda i: (0, i, 0)),
            pl.BlockSpec((r, 2), lambda i: (i, 0)),
            pl.BlockSpec((1, d), lambda i: (0, 0)),
        ],
        out_specs=pl.BlockSpec((r, d), lambda i: (i, 0)),
        out_shape=jax.ShapeDtypeStruct((n, d), jnp.float32),
    )(x, h2, gcn, degp_t, bias.reshape(1, d))
    return out

# --- scband reference (transcript-rebuilt; emitter-appended) ---
"""Pipeline reference for scband-anti-symmetric-conv-27994596835372 (READ-ONLY COPY).

The authoritative reference and input builder live on the scoring server;
editing this copy changes nothing except your own understanding.
"""

import jax, jax.numpy as jnp
import numpy as np

N = 10000
E = 160000
D = 256
GAMMA = 0.1
EPSILON = 0.1
NUM_ITERS = 1


def setup_inputs(seed: int = 0) -> dict:
    key = jax.random.key(seed)
    k1, k2, k3, k4, k5 = jax.random.split(key, 5)
    x = jax.random.normal(k1, (N, D), dtype=jnp.float32)
    edge_index = jax.random.randint(k2, (2, E), 0, N, dtype=jnp.int64)
    # antisymmetric weight W (kaiming-uniform-like init)
    bound = 1.0 / np.sqrt(D)
    W = jax.random.uniform(k3, (D, D), minval=-bound, maxval=bound, dtype=jnp.float32)
    # GCNConv linear weight (bias=False); PyG stores weight as [out, in]
    W_phi = jax.random.uniform(k4, (D, D), minval=-bound, maxval=bound, dtype=jnp.float32)
    bias = jnp.zeros((D,), dtype=jnp.float32)
    return {"x": x, "edge_index": edge_index, "W": W, "W_phi": W_phi, "bias": bias}


def _gcn_conv(x, edge_index, W_phi):
    # GCNConv(in, in, bias=False, normalize=True, add_self_loops=False)
    row = edge_index[0]
    col = edge_index[1]
    xw = x @ W_phi.T  # PyG Linear: x @ weight.T
    ones = jnp.ones((edge_index.shape[1],), dtype=x.dtype)
    deg = jax.ops.segment_sum(ones, col, num_segments=N)
    deg_inv_sqrt = jnp.where(deg > 0, deg ** -0.5, 0.0)
    norm = deg_inv_sqrt[row] * deg_inv_sqrt[col]
    msg = norm[:, None] * xw[row]  # gather on src nodes
    out = jax.ops.segment_sum(msg, col, num_segments=N)  # scatter-add to dst nodes
    return out


def reference(x, edge_index, W, W_phi, bias):
    eye = jnp.eye(D, dtype=x.dtype)
    antisymmetric_W = W - W.T - GAMMA * eye
    for _ in range(NUM_ITERS):
        h = _gcn_conv(x, edge_index, W_phi)
        h = x @ antisymmetric_W.T + h
        h = h + bias
        h = jnp.tanh(h)
        x = x + EPSILON * h
    return x

if __name__ == "__main__":
    import jax
    _d = setup_inputs()
    print(jax.jit(kernel)(*tuple(_d.values())))

</pallas_src>

<mosaic_0001>
#map = affine_map<(d0, d1) -> (0, 0, 0, 0)>
#map1 = affine_map<(d0, d1) -> (0)>
module attributes {stable_mosaic.version = 14 : i64} {
  func.func @_deg_body(%arg0: i32, %arg1: i32, %arg2: memref<2x16x42x120xi32, #tpu.memory_space<hbm>>, %arg3: memref<128xf32, #tpu.memory_space<hbm>>, %arg4: memref<640xf32, #tpu.memory_space<hbm>>, %arg5: memref<20480xf32, #tpu.memory_space<hbm>>, %arg6: memref<42x120xi32, #tpu.memory_space<vmem>>, %arg7: memref<128xf32, #tpu.memory_space<vmem>>, %arg8: memref<640xf32, #tpu.memory_space<vmem>>, %arg9: memref<10240xf32, #tpu.memory_space<vmem_shared>>) attributes {dimension_semantics = [#tpu.dimension_semantics<core_parallel>, #tpu.dimension_semantics<subcore_parallel>], iteration_bounds = array<i64: 2, 16>, scalar_prefetch = 0 : i64, scratch_operands = 4 : i64, tpu.core_type = #tpu.core_type<sc_vector_subcore>, window_params = [{transform_indices = #map}, {transform_indices = #map1}, {transform_indices = #map1}, {transform_indices = #map1}]} {
    "tpu.region"() ({
      %run_scoped3A = tpu.sem_alloc : memref<!tpu.dma_semaphore, #tpu.memory_space<semaphore_mem>>
      tpu.enqueue_dma source(%arg4 : memref<640xf32, #tpu.memory_space<hbm>>) target(%arg8 : memref<640xf32, #tpu.memory_space<vmem>>) target_semaphore(%run_scoped3A : memref<!tpu.dma_semaphore, #tpu.memory_space<semaphore_mem>>)
      tpu.wait_dma2 semaphore(%run_scoped3A : memref<!tpu.dma_semaphore, #tpu.memory_space<semaphore_mem>>) src(%arg4 : memref<640xf32, #tpu.memory_space<hbm>>) dst(%arg8 : memref<640xf32, #tpu.memory_space<vmem>>)
      tpu.yield
    }) : () -> ()
    %mul3A = arith.constant 640 : i32
    %mul3A_0 = arith.muli %arg1, %mul3A : i32
    "tpu.region"() ({
      %run_scoped3A = tpu.sem_alloc : memref<!tpu.dma_semaphore, #tpu.memory_space<semaphore_mem>>
      %dma_start3A = tpu.memref_slice %arg9[%mul3A_0] : memref<10240xf32, #tpu.memory_space<vmem_shared>> -> memref<640xf32, #tpu.memory_space<vmem_shared>>
      %dma_start3A_12 = tpu.memref_slice %arg9[%mul3A_0] : memref<10240xf32, #tpu.memory_space<vmem_shared>> -> memref<640xf32, #tpu.memory_space<vmem_shared>>
      tpu.enqueue_dma source(%arg8 : memref<640xf32, #tpu.memory_space<vmem>>) target(%dma_start3A_12 : memref<640xf32, #tpu.memory_space<vmem_shared>>) target_semaphore(%run_scoped3A : memref<!tpu.dma_semaphore, #tpu.memory_space<semaphore_mem>>)
      %dma_wait3A = tpu.memref_slice %arg9[%mul3A_0] : memref<10240xf32, #tpu.memory_space<vmem_shared>> -> memref<640xf32, #tpu.memory_space<vmem_shared>>
      %dma_wait3A_13 = tpu.memref_slice %arg9[%mul3A_0] : memref<10240xf32, #tpu.memory_space<vmem_shared>> -> memref<640xf32, #tpu.memory_space<vmem_shared>>
      tpu.wait_dma2 semaphore(%run_scoped3A : memref<!tpu.dma_semaphore, #tpu.memory_space<semaphore_mem>>) src(%arg8 : memref<640xf32, #tpu.memory_space<vmem>>) dst(%dma_wait3A_13 : memref<640xf32, #tpu.memory_space<vmem_shared>>)
      tpu.yield
    }) : () -> ()
    "tpu.region"() ({
      %run_scoped3A = tpu.sem_alloc : memref<!tpu.dma_semaphore, #tpu.memory_space<semaphore_mem>>
      %dma_start3A = arith.constant 0 : i32
      %dma_start3A_12 = arith.constant 0 : i32
      %dma_start3A_13 = tpu.memref_slice %arg2[%arg0, %arg1, %dma_start3A, %dma_start3A_12] : memref<2x16x42x120xi32, #tpu.memory_space<hbm>> -> memref<1x1x42x120xi32, #tpu.memory_space<hbm>>
      %dma_start3A_14 = tpu.memref_squeeze %dma_start3A_13 : memref<1x1x42x120xi32, #tpu.memory_space<hbm>> -> memref<42x120xi32, #tpu.memory_space<hbm>>
      %dma_start3A_15 = arith.constant 0 : i32
      %dma_start3A_16 = arith.constant 0 : i32
      %dma_start3A_17 = tpu.memref_slice %arg2[%arg0, %arg1, %dma_start3A_15, %dma_start3A_16] : memref<2x16x42x120xi32, #tpu.memory_space<hbm>> -> memref<1x1x42x120xi32, #tpu.memory_space<hbm>>
      %dma_start3A_18 = tpu.memref_squeeze %dma_start3A_17 : memref<1x1x42x120xi32, #tpu.memory_space<hbm>> -> memref<42x120xi32, #tpu.memory_space<hbm>>
      tpu.enqueue_dma source(%dma_start3A_18 : memref<42x120xi32, #tpu.memory_space<hbm>>) target(%arg6 : memref<42x120xi32, #tpu.memory_space<vmem>>) target_semaphore(%run_scoped3A : memref<!tpu.dma_semaphore, #tpu.memory_space<semaphore_mem>>)
      %dma_wait3A = arith.constant 0 : i32
      %dma_wait3A_19 = arith.constant 0 : i32
      %dma_wait3A_20 = tpu.memref_slice %arg2[%arg0, %arg1, %dma_wait3A, %dma_wait3A_19] : memref<2x16x42x120xi32, #tpu.memory_space<hbm>> -> memref<1x1x42x120xi32, #tpu.memory_space<hbm>>
      %dma_wait3A_21 = tpu.memref_squeeze %dma_wait3A_20 : memref<1x1x42x120xi32, #tpu.memory_space<hbm>> -> memref<42x120xi32, #tpu.memory_space<hbm>>
      %dma_wait3A_22 = arith.constant 0 : i32
      %dma_wait3A_23 = arith.constant 0 : i32
      %dma_wait3A_24 = tpu.memref_slice %arg2[%arg0, %arg1, %dma_wait3A_22, %dma_wait3A_23] : memref<2x16x42x120xi32, #tpu.memory_space<hbm>> -> memref<1x1x42x120xi32, #tpu.memory_space<hbm>>
      %dma_wait3A_25 = tpu.memref_squeeze %dma_wait3A_24 : memref<1x1x42x120xi32, #tpu.memory_space<hbm>> -> memref<42x120xi32, #tpu.memory_space<hbm>>
      tpu.wait_dma2 semaphore(%run_scoped3A : memref<!tpu.dma_semaphore, #tpu.memory_space<semaphore_mem>>) src(%dma_wait3A_25 : memref<42x120xi32, #tpu.memory_space<hbm>>) dst(%arg6 : memref<42x120xi32, #tpu.memory_space<vmem>>)
      tpu.yield
    }) : () -> ()
    "tpu.region"() ({
      %run_scoped3A = tpu.sem_alloc : memref<!tpu.dma_semaphore, #tpu.memory_space<semaphore_mem>>
      tpu.enqueue_dma source(%arg3 : memref<128xf32, #tpu.memory_space<hbm>>) target(%arg7 : memref<128xf32, #tpu.memory_space<vmem>>) target_semaphore(%run_scoped3A : memref<!tpu.dma_semaphore, #tpu.memory_space<semaphore_mem>>)
      tpu.wait_dma2 semaphore(%run_scoped3A : memref<!tpu.dma_semaphore, #tpu.memory_space<semaphore_mem>>) src(%arg3 : memref<128xf32, #tpu.memory_space<hbm>>) dst(%arg7 : memref<128xf32, #tpu.memory_space<vmem>>)
      tpu.yield
    }) : () -> ()
    %barrier3A = arith.constant 0 : index
    tpu.barrier barrier_id(%barrier3A)
    %scan3A = arith.constant 0 : i32
    %scan3A_1 = arith.constant 42 : i32
    %scan3A_2 = arith.addi %scan3A, %scan3A_1 : i32
    %scan3A_3 = arith.constant 1 : i32
    scf.for %scan3A_12 = %scan3A to %scan3A_2 step %scan3A_3  : i32 {
      %mul3A_13 = arith.constant 1 : i32
      %mul3A_14 = arith.muli %scan3A_12, %mul3A_13 : i32
      %add3A_15 = arith.constant 0 : i32
      %add3A_16 = arith.addi %add3A_15, %mul3A_14 : i32
      "tpu.region"() ({
        %run_scoped3A = tpu.sem_alloc : memref<!tpu.dma_semaphore, #tpu.memory_space<semaphore_mem>>
        %dma_start3A = arith.constant 0 : i32
        %dma_start3A_17 = tpu.memref_slice %arg7[%dma_start3A] : memref<128xf32, #tpu.memory_space<vmem>> -> memref<120xf32, #tpu.memory_space<vmem>>
        %dma_start3A_18 = arith.constant 0 : i32
        %dma_start3A_19 = tpu.memref_slice %arg6[%add3A_16, %dma_start3A_18] : memref<42x120xi32, #tpu.memory_space<vmem>> -> memref<1x120xi32, #tpu.memory_space<vmem>>
        %dma_start3A_20 = tpu.memref_squeeze %dma_start3A_19 : memref<1x120xi32, #tpu.memory_space<vmem>> -> memref<120xi32, #tpu.memory_space<vmem>>
        %dma_start3A_21 = arith.constant 0 : i32
        %dma_start3A_22 = tpu.memref_slice %arg9[%dma_start3A_21] : memref<10240xf32, #tpu.memory_space<vmem_shared>> -> memref<10240xf32, #tpu.memory_space<vmem_shared>>
        tpu.enqueue_indirect_dma source(%dma_start3A_17 : memref<120xf32, #tpu.memory_space<vmem>>) target(%dma_start3A_22 : memref<10240xf32, #tpu.memory_space<vmem_shared>>) offsets(%dma_start3A_20 : memref<120xi32, #tpu.memory_space<vmem>>) semaphore(%run_scoped3A : memref<!tpu.dma_semaphore, #tpu.memory_space<semaphore_mem>>) {add = true}
        %dma_wait3A = arith.constant 0 : i32
        %dma_wait3A_23 = tpu.memref_slice %arg7[%dma_wait3A] : memref<128xf32, #tpu.memory_space<vmem>> -> memref<120xf32, #tpu.memory_space<vmem>>
        %dma_wait3A_24 = arith.constant 0 : i32
        %dma_wait3A_25 = tpu.memref_slice %arg6[%add3A_16, %dma_wait3A_24] : memref<42x120xi32, #tpu.memory_space<vmem>> -> memref<1x120xi32, #tpu.memory_space<vmem>>
        %dma_wait3A_26 = tpu.memref_squeeze %dma_wait3A_25 : memref<1x120xi32, #tpu.memory_space<vmem>> -> memref<120xi32, #tpu.memory_space<vmem>>
        %dma_wait3A_27 = arith.constant 0 : i32
        %dma_wait3A_28 = tpu.memref_slice %arg9[%dma_wait3A_27] : memref<10240xf32, #tpu.memory_space<vmem_shared>> -> memref<10240xf32, #tpu.memory_space<vmem_shared>>
        tpu.wait_indirect_dma semaphore(%run_scoped3A : memref<!tpu.dma_semaphore, #tpu.memory_space<semaphore_mem>>) src(%dma_wait3A_23 : memref<120xf32, #tpu.memory_space<vmem>>) dst(%dma_wait3A_28 : memref<10240xf32, #tpu.memory_space<vmem_shared>>)
        tpu.yield
      }) : () -> ()
    }
    %scan3A_4 = arith.constant 42 : i32
    %barrier3A_5 = arith.constant 0 : index
    tpu.barrier barrier_id(%barrier3A_5)
    %mul3A_6 = arith.constant 640 : i32
    %mul3A_7 = arith.muli %arg1, %mul3A_6 : i32
    "tpu.region"() ({
      %run_scoped3A = tpu.sem_alloc : memref<!tpu.dma_semaphore, #tpu.memory_space<semaphore_mem>>
      %dma_start3A = tpu.memref_slice %arg9[%mul3A_7] : memref<10240xf32, #tpu.memory_space<vmem_shared>> -> memref<640xf32, #tpu.memory_space<vmem_shared>>
      %dma_start3A_12 = tpu.memref_slice %arg9[%mul3A_7] : memref<10240xf32, #tpu.memory_space<vmem_shared>> -> memref<640xf32, #tpu.memory_space<vmem_shared>>
      tpu.enqueue_dma source(%dma_start3A_12 : memref<640xf32, #tpu.memory_space<vmem_shared>>) target(%arg8 : memref<640xf32, #tpu.memory_space<vmem>>) target_semaphore(%run_scoped3A : memref<!tpu.dma_semaphore, #tpu.memory_space<semaphore_mem>>)
      %dma_wait3A = tpu.memref_slice %arg9[%mul3A_7] : memref<10240xf32, #tpu.memory_space<vmem_shared>> -> memref<640xf32, #tpu.memory_space<vmem_shared>>
      %dma_wait3A_13 = tpu.memref_slice %arg9[%mul3A_7] : memref<10240xf32, #tpu.memory_space<vmem_shared>> -> memref<640xf32, #tpu.memory_space<vmem_shared>>
      tpu.wait_dma2 semaphore(%run_scoped3A : memref<!tpu.dma_semaphore, #tpu.memory_space<semaphore_mem>>) src(%dma_wait3A_13 : memref<640xf32, #tpu.memory_space<vmem_shared>>) dst(%arg8 : memref<640xf32, #tpu.memory_space<vmem>>)
      tpu.yield
    }) : () -> ()
    %mul3A_8 = arith.constant 10240 : i32
    %mul3A_9 = arith.muli %arg0, %mul3A_8 : i32
    %mul3A_10 = arith.constant 640 : i32
    %mul3A_11 = arith.muli %arg1, %mul3A_10 : i32
    %add3A = arith.addi %mul3A_9, %mul3A_11 : i32
    "tpu.region"() ({
      %run_scoped3A = tpu.sem_alloc : memref<!tpu.dma_semaphore, #tpu.memory_space<semaphore_mem>>
      %dma_start3A = tpu.memref_slice %arg5[%add3A] : memref<20480xf32, #tpu.memory_space<hbm>> -> memref<640xf32, #tpu.memory_space<hbm>>
      %dma_start3A_12 = tpu.memref_slice %arg5[%add3A] : memref<20480xf32, #tpu.memory_space<hbm>> -> memref<640xf32, #tpu.memory_space<hbm>>
      tpu.enqueue_dma source(%arg8 : memref<640xf32, #tpu.memory_space<vmem>>) target(%dma_start3A_12 : memref<640xf32, #tpu.memory_space<hbm>>) target_semaphore(%run_scoped3A : memref<!tpu.dma_semaphore, #tpu.memory_space<semaphore_mem>>)
      %dma_wait3A = tpu.memref_slice %arg5[%add3A] : memref<20480xf32, #tpu.memory_space<hbm>> -> memref<640xf32, #tpu.memory_space<hbm>>
      %dma_wait3A_13 = tpu.memref_slice %arg5[%add3A] : memref<20480xf32, #tpu.memory_space<hbm>> -> memref<640xf32, #tpu.memory_space<hbm>>
      tpu.wait_dma2 semaphore(%run_scoped3A : memref<!tpu.dma_semaphore, #tpu.memory_space<semaphore_mem>>) src(%arg8 : memref<640xf32, #tpu.memory_space<vmem>>) dst(%dma_wait3A_13 : memref<640xf32, #tpu.memory_space<hbm>>)
      tpu.yield
    }) : () -> ()
    return
  }
}

#map = affine_map<(d0, d1) -> (0, 0)>
#map1 = affine_map<(d0, d1) -> (0, 0, 0, 0, 0)>
#map2 = affine_map<(d0, d1) -> (0, 0, 0)>
module attributes {stable_mosaic.version = 14 : i64} {
  func.func @_gcn_body(%arg0: i32, %arg1: i32, %arg2: memref<20000x128xf32, #tpu.memory_space<hbm>>, %arg3: memref<2x16x84x2x120xi32, #tpu.memory_space<hbm>>, %arg4: memref<80x128xf32, #tpu.memory_space<hbm>>, %arg5: memref<2x10240x128xf32, #tpu.memory_space<hbm>>, %arg6: memref<2x120xi32, #tpu.memory_space<vmem>>, %arg7: memref<2x120xi32, #tpu.memory_space<vmem>>, %arg8: memref<2x120xi32, #tpu.memory_space<vmem>>, %arg9: memref<2x120xi32, #tpu.memory_space<vmem>>, %arg10: memref<2x120xi32, #tpu.memory_space<vmem>>, %arg11: memref<2x120xi32, #tpu.memory_space<vmem>>, %arg12: memref<120x128xf32, #tpu.memory_space<vmem>>, %arg13: memref<120x128xf32, #tpu.memory_space<vmem>>, %arg14: memref<120x128xf32, #tpu.memory_space<vmem>>, %arg15: memref<10240x128xf32, #tpu.memory_space<vmem_shared>>, %arg16: memref<!tpu.dma_semaphore, #tpu.memory_space<semaphore_mem>>, %arg17: memref<!tpu.dma_semaphore, #tpu.memory_space<semaphore_mem>>, %arg18: memref<!tpu.dma_semaphore, #tpu.memory_space<semaphore_mem>>, %arg19: memref<!tpu.dma_semaphore, #tpu.memory_space<semaphore_mem>>, %arg20: memref<!tpu.dma_semaphore, #tpu.memory_space<semaphore_mem>>, %arg21: memref<!tpu.dma_semaphore, #tpu.memory_space<semaphore_mem>>, %arg22: memref<!tpu.dma_semaphore, #tpu.memory_space<semaphore_mem>>, %arg23: memref<!tpu.dma_semaphore, #tpu.memory_space<semaphore_mem>>, %arg24: memref<!tpu.dma_semaphore, #tpu.memory_space<semaphore_mem>>, %arg25: memref<!tpu.dma_semaphore, #tpu.memory_space<semaphore_mem>>, %arg26: memref<!tpu.dma_semaphore, #tpu.memory_space<semaphore_mem>>, %arg27: memref<!tpu.dma_semaphore, #tpu.memory_space<semaphore_mem>>) attributes {dimension_semantics = [#tpu.dimension_semantics<core_parallel>, #tpu.dimension_semantics<subcore_parallel>], iteration_bounds = array<i64: 2, 16>, scalar_prefetch = 0 : i64, scratch_operands = 22 : i64, tpu.core_type = #tpu.core_type<sc_vector_subcore>, window_params = [{transform_indices = #map}, {transform_indices = #map1}, {transform_indices = #map}, {transform_indices = #map2}]} {
    "tpu.region"() ({
      %run_scoped3A_62 = tpu.sem_alloc : memref<!tpu.dma_semaphore, #tpu.memory_space<semaphore_mem>>
      %dma_start3A_63 = arith.constant 0 : i32
      %dma_start3A_64 = arith.constant 0 : i32
      %dma_start3A_65 = tpu.memref_slice %arg12[%dma_start3A_63, %dma_start3A_64] : memref<120x128xf32, #tpu.memory_space<vmem>> -> memref<80x128xf32, #tpu.memory_space<vmem>>
      %dma_start3A_66 = arith.constant 0 : i32
      %dma_start3A_67 = arith.constant 0 : i32
      %dma_start3A_68 = tpu.memref_slice %arg12[%dma_start3A_66, %dma_start3A_67] : memref<120x128xf32, #tpu.memory_space<vmem>> -> memref<80x128xf32, #tpu.memory_space<vmem>>
      tpu.enqueue_dma source(%arg4 : memref<80x128xf32, #tpu.memory_space<hbm>>) target(%dma_start3A_68 : memref<80x128xf32, #tpu.memory_space<vmem>>) target_semaphore(%run_scoped3A_62 : memref<!tpu.dma_semaphore, #tpu.memory_space<semaphore_mem>>)
      %dma_wait3A_69 = arith.constant 0 : i32
      %dma_wait3A_70 = arith.constant 0 : i32
      %dma_wait3A_71 = tpu.memref_slice %arg12[%dma_wait3A_69, %dma_wait3A_70] : memref<120x128xf32, #tpu.memory_space<vmem>> -> memref<80x128xf32, #tpu.memory_space<vmem>>
      %dma_wait3A_72 = arith.constant 0 : i32
      %dma_wait3A_73 = arith.constant 0 : i32
      %dma_wait3A_74 = tpu.memref_slice %arg12[%dma_wait3A_72, %dma_wait3A_73] : memref<120x128xf32, #tpu.memory_space<vmem>> -> memref<80x128xf32, #tpu.memory_space<vmem>>
      tpu.wait_dma2 semaphore(%run_scoped3A_62 : memref<!tpu.dma_semaphore, #tpu.memory_space<semaphore_mem>>) src(%arg4 : memref<80x128xf32, #tpu.memory_space<hbm>>) dst(%dma_wait3A_74 : memref<80x128xf32, #tpu.memory_space<vmem>>)
      tpu.yield
    }) : () -> ()
    %scan3A = arith.constant 0 : i32
    %scan3A_0 = arith.constant 8 : i32
    %scan3A_1 = arith.addi %scan3A, %scan3A_0 : i32
    %scan3A_2 = arith.constant 1 : i32
    scf.for %scan3A_62 = %scan3A to %scan3A_1 step %scan3A_2  : i32 {
      %mul3A = arith.constant 80 : i32
      %mul3A_63 = arith.muli %scan3A_62, %mul3A : i32
      %add3A = arith.constant 0 : i32
      %add3A_64 = arith.addi %add3A, %mul3A_63 : i32
      %mul3A_65 = arith.constant 640 : i32
      %mul3A_66 = arith.muli %arg1, %mul3A_65 : i32
      %add3A_67 = arith.addi %mul3A_66, %add3A_64 : i32
      "tpu.region"() ({
        %run_scoped3A_68 = tpu.sem_alloc : memref<!tpu.dma_semaphore, #tpu.memory_space<semaphore_mem>>
        %dma_start3A_69 = arith.constant 0 : i32
        %dma_start3A_70 = arith.constant 0 : i32
        %dma_start3A_71 = tpu.memref_slice %arg12[%dma_start3A_69, %dma_start3A_70] : memref<120x128xf32, #tpu.memory_space<vmem>> -> memref<80x128xf32, #tpu.memory_space<vmem>>
        %dma_start3A_72 = arith.constant 0 : i32
        %dma_start3A_73 = tpu.memref_slice %arg15[%add3A_67, %dma_start3A_72] : memref<10240x128xf32, #tpu.memory_space<vmem_shared>> -> memref<80x128xf32, #tpu.memory_space<vmem_shared>>
        %dma_start3A_74 = arith.constant 0 : i32
        %dma_start3A_75 = tpu.memref_slice %arg15[%add3A_67, %dma_start3A_74] : memref<10240x128xf32, #tpu.memory_space<vmem_shared>> -> memref<80x128xf32, #tpu.memory_space<vmem_shared>>
        %dma_start3A_76 = arith.constant 0 : i32
        %dma_start3A_77 = arith.constant 0 : i32
        %dma_start3A_78 = tpu.memref_slice %arg12[%dma_start3A_76, %dma_start3A_77] : memref<120x128xf32, #tpu.memory_space<vmem>> -> memref<80x128xf32, #tpu.memory_space<vmem>>
        tpu.enqueue_dma source(%dma_start3A_78 : memref<80x128xf32, #tpu.memory_space<vmem>>) target(%dma_start3A_75 : memref<80x128xf32, #tpu.memory_space<vmem_shared>>) target_semaphore(%run_scoped3A_68 : memref<!tpu.dma_semaphore, #tpu.memory_space<semaphore_mem>>)
        %dma_wait3A_79 = arith.constant 0 : i32
        %dma_wait3A_80 = arith.constant 0 : i32
        %dma_wait3A_81 = tpu.memref_slice %arg12[%dma_wait3A_79, %dma_wait3A_80] : memref<120x128xf32, #tpu.memory_space<vmem>> -> memref<80x128xf32, #tpu.memory_space<vmem>>
        %dma_wait3A_82 = arith.constant 0 : i32
        %dma_wait3A_83 = tpu.memref_slice %arg15[%add3A_67, %dma_wait3A_82] : memref<10240x128xf32, #tpu.memory_space<vmem_shared>> -> memref<80x128xf32, #tpu.memory_space<vmem_shared>>
        %dma_wait3A_84 = arith.constant 0 : i32
        %dma_wait3A_85 = tpu.memref_slice %arg15[%add3A_67, %dma_wait3A_84] : memref<10240x128xf32, #tpu.memory_space<vmem_shared>> -> memref<80x128xf32, #tpu.memory_space<vmem_shared>>
        %dma_wait3A_86 = arith.constant 0 : i32
        %dma_wait3A_87 = arith.constant 0 : i32
        %dma_wait3A_88 = tpu.memref_slice %arg12[%dma_wait3A_86, %dma_wait3A_87] : memref<120x128xf32, #tpu.memory_space<vmem>> -> memref<80x128xf32, #tpu.memory_space<vmem>>
        tpu.wait_dma2 semaphore(%run_scoped3A_68 : memref<!tpu.dma_semaphore, #tpu.memory_space<semaphore_mem>>) src(%dma_wait3A_88 : memref<80x128xf32, #tpu.memory_space<vmem>>) dst(%dma_wait3A_85 : memref<80x128xf32, #tpu.memory_space<vmem_shared>>)
        tpu.yield
      }) : () -> ()
    }
    %scan3A_3 = arith.constant 8 : i32
    %barrier3A = arith.constant 0 : index
    tpu.barrier barrier_id(%barrier3A)
    %dma_start3A = arith.constant 0 : i32
    %dma_start3A_4 = arith.constant 0 : i32
    %dma_start3A_5 = arith.constant 0 : i32
    %dma_start3A_6 = tpu.memref_slice %arg3[%arg0, %arg1, %dma_start3A, %dma_start3A_4, %dma_start3A_5] : memref<2x16x84x2x120xi32, #tpu.memory_space<hbm>> -> memref<1x1x1x2x120xi32, #tpu.memory_space<hbm>>
    %dma_start3A_7 = tpu.memref_squeeze %dma_start3A_6 : memref<1x1x1x2x120xi32, #tpu.memory_space<hbm>> -> memref<2x120xi32, #tpu.memory_space<hbm>>
    %dma_start3A_8 = arith.constant 0 : i32
    %dma_start3A_9 = arith.constant 0 : i32
    %dma_start3A_10 = tpu.memref_slice %arg3[%arg0, %arg1, %dma_start3A, %dma_start3A_8, %dma_start3A_9] : memref<2x16x84x2x120xi32, #tpu.memory_space<hbm>> -> memref<1x1x1x2x120xi32, #tpu.memory_space<hbm>>
    %dma_start3A_11 = tpu.memref_squeeze %dma_start3A_10 : memref<1x1x1x2x120xi32, #tpu.memory_space<hbm>> -> memref<2x120xi32, #tpu.memory_space<hbm>>
    tpu.enqueue_dma source(%dma_start3A_11 : memref<2x120xi32, #tpu.memory_space<hbm>>) target(%arg6 : memref<2x120xi32, #tpu.memory_space<vmem>>) target_semaphore(%arg16 : memref<!tpu.dma_semaphore, #tpu.memory_space<semaphore_mem>>)
    %dma_start3A_12 = arith.constant 1 : i32
    %dma_start3A_13 = arith.constant 0 : i32
    %dma_start3A_14 = arith.constant 0 : i32
    %dma_start3A_15 = tpu.memref_slice %arg3[%arg0, %arg1, %dma_start3A_12, %dma_start3A_13, %dma_start3A_14] : memref<2x16x84x2x120xi32, #tpu.memory_space<hbm>> -> memref<1x1x1x2x120xi32, #tpu.memory_space<hbm>>
    %dma_start3A_16 = tpu.memref_squeeze %dma_start3A_15 : memref<1x1x1x2x120xi32, #tpu.memory_space<hbm>> -> memref<2x120xi32, #tpu.memory_space<hbm>>
    %dma_start3A_17 = arith.constant 0 : i32
    %dma_start3A_18 = arith.constant 0 : i32
    %dma_start3A_19 = tpu.memref_slice %arg3[%arg0, %arg1, %dma_start3A_12, %dma_start3A_17, %dma_start3A_18] : memref<2x16x84x2x120xi32, #tpu.memory_space<hbm>> -> memref<1x1x1x2x120xi32, #tpu.memory_space<hbm>>
    %dma_start3A_20 = tpu.memref_squeeze %dma_start3A_19 : memref<1x1x1x2x120xi32, #tpu.memory_space<hbm>> -> memref<2x120xi32, #tpu.memory_space<hbm>>
    tpu.enqueue_dma source(%dma_start3A_20 : memref<2x120xi32, #tpu.memory_space<hbm>>) target(%arg7 : memref<2x120xi32, #tpu.memory_space<vmem>>) target_semaphore(%arg17 : memref<!tpu.dma_semaphore, #tpu.memory_space<semaphore_mem>>)
    %dma_start3A_21 = arith.constant 2 : i32
    %dma_start3A_22 = arith.constant 0 : i32
    %dma_start3A_23 = arith.constant 0 : i32
    %dma_start3A_24 = tpu.memref_slice %arg3[%arg0, %arg1, %dma_start3A_21, %dma_start3A_22, %dma_start3A_23] : memref<2x16x84x2x120xi32, #tpu.memory_space<hbm>> -> memref<1x1x1x2x120xi32, #tpu.memory_space<hbm>>
    %dma_start3A_25 = tpu.memref_squeeze %dma_start3A_24 : memref<1x1x1x2x120xi32, #tpu.memory_space<hbm>> -> memref<2x120xi32, #tpu.memory_space<hbm>>
    %dma_start3A_26 = arith.constant 0 : i32
    %dma_start3A_27 = arith.constant 0 : i32
    %dma_start3A_28 = tpu.memref_slice %arg3[%arg0, %arg1, %dma_start3A_21, %dma_start3A_26, %dma_start3A_27] : memref<2x16x84x2x120xi32, #tpu.memory_space<hbm>> -> memref<1x1x1x2x120xi32, #tpu.memory_space<hbm>>
    %dma_start3A_29 = tpu.memref_squeeze %dma_start3A_28 : memref<1x1x1x2x120xi32, #tpu.memory_space<hbm>> -> memref<2x120xi32, #tpu.memory_space<hbm>>
    tpu.enqueue_dma source(%dma_start3A_29 : memref<2x120xi32, #tpu.memory_space<hbm>>) target(%arg8 : memref<2x120xi32, #tpu.memory_space<vmem>>) target_semaphore(%arg18 : memref<!tpu.dma_semaphore, #tpu.memory_space<semaphore_mem>>)
    %scan3A_30 = arith.constant 0 : i32
    %scan3A_31 = arith.constant 14 : i32
    %scan3A_32 = arith.addi %scan3A_30, %scan3A_31 : i32
    %scan3A_33 = arith.constant 1 : i32
    scf.for %scan3A_62 = %scan3A_30 to %scan3A_32 step %scan3A_33  : i32 {
      %mul3A = arith.constant 6 : i32
      %mul3A_63 = arith.muli %scan3A_62, %mul3A : i32
      %add3A = arith.constant 0 : i32
      %add3A_64 = arith.addi %add3A, %mul3A_63 : i32
      %add3A_65 = arith.constant 0 : i32
      %add3A_66 = arith.addi %add3A_64, %add3A_65 : i32
      %ge3A = arith.constant 3 : i32
      %ge3A_67 = arith.cmpi sge, %add3A_66, %ge3A : i32
      %convert_element_type3A = arith.extui %ge3A_67 : i1 to i32
      %cond3A = arith.constant 0 : i32
      %cond3A_68 = arith.cmpi ne, %convert_element_type3A, %cond3A : i32
      scf.if %cond3A_68 {
        %dma_wait3A_307 = arith.constant 1 : i32
        %dma_wait3A_308 = arith.constant 0 : i32
        %dma_wait3A_309 = tpu.memref_slice %arg9[%dma_wait3A_307, %dma_wait3A_308] : memref<2x120xi32, #tpu.memory_space<vmem>> -> memref<1x120xi32, #tpu.memory_space<vmem>>
        %dma_wait3A_310 = tpu.memref_squeeze %dma_wait3A_309 : memref<1x120xi32, #tpu.memory_space<vmem>> -> memref<120xi32, #tpu.memory_space<vmem>>
        %dma_wait3A_311 = arith.constant 0 : i32
        %dma_wait3A_312 = arith.constant 0 : i32
        %dma_wait3A_313 = tpu.memref_slice %arg15[%dma_wait3A_311, %dma_wait3A_312] : memref<10240x128xf32, #tpu.memory_space<vmem_shared>> -> memref<10240x128xf32, #tpu.memory_space<vmem_shared>>
        tpu.wait_indirect_dma semaphore(%arg25 : memref<!tpu.dma_semaphore, #tpu.memory_space<semaphore_mem>>) src(%arg12 : memref<120x128xf32, #tpu.memory_space<vmem>>) dst(%dma_wait3A_313 : memref<10240x128xf32, #tpu.memory_space<vmem_shared>>)
      } else {
      }
      %add3A_69 = arith.constant 3 : i32
      %add3A_70 = arith.addi %add3A_66, %add3A_69 : i32
      %lt3A = arith.constant 84 : i32
      %lt3A_71 = arith.cmpi slt, %add3A_70, %lt3A : i32
      %convert_element_type3A_72 = arith.extui %lt3A_71 : i1 to i32
      %cond3A_73 = arith.constant 0 : i32
      %cond3A_74 = arith.cmpi ne, %convert_element_type3A_72, %cond3A_73 : i32
      scf.if %cond3A_74 {
        %dma_start3A_307 = arith.constant 0 : i32
        %dma_start3A_308 = arith.constant 0 : i32
        %dma_start3A_309 = tpu.memref_slice %arg3[%arg0, %arg1, %add3A_70, %dma_start3A_307, %dma_start3A_308] : memref<2x16x84x2x120xi32, #tpu.memory_space<hbm>> -> memref<1x1x1x2x120xi32, #tpu.memory_space<hbm>>
        %dma_start3A_310 = tpu.memref_squeeze %dma_start3A_309 : memref<1x1x1x2x120xi32, #tpu.memory_space<hbm>> -> memref<2x120xi32, #tpu.memory_space<hbm>>
        %dma_start3A_311 = arith.constant 0 : i32
        %dma_start3A_312 = arith.constant 0 : i32
        %dma_start3A_313 = tpu.memref_slice %arg3[%arg0, %arg1, %add3A_70, %dma_start3A_311, %dma_start3A_312] : memref<2x16x84x2x120xi32, #tpu.memory_space<hbm>> -> memref<1x1x1x2x120xi32, #tpu.memory_space<hbm>>
        %dma_start3A_314 = tpu.memref_squeeze %dma_start3A_313 : memref<1x1x1x2x120xi32, #tpu.memory_space<hbm>> -> memref<2x120xi32, #tpu.memory_space<hbm>>
        tpu.enqueue_dma source(%dma_start3A_314 : memref<2x120xi32, #tpu.memory_space<hbm>>) target(%arg9 : memref<2x120xi32, #tpu.memory_space<vmem>>) target_semaphore(%arg19 : memref<!tpu.dma_semaphore, #tpu.memory_space<semaphore_mem>>)
      } else {
      }
      %ge3A_75 = arith.constant 2 : i32
      %ge3A_76 = arith.cmpi sge, %add3A_66, %ge3A_75 : i32
      %convert_element_type3A_77 = arith.extui %ge3A_76 : i1 to i32
      %cond3A_78 = arith.constant 0 : i32
      %cond3A_79 = arith.cmpi ne, %convert_element_type3A_77, %cond3A_78 : i32
      scf.if %cond3A_79 {
        %dma_wait3A_307 = arith.constant 0 : i32
        %dma_wait3A_308 = arith.constant 0 : i32
        %dma_wait3A_309 = tpu.memref_slice %arg10[%dma_wait3A_307, %dma_wait3A_308] : memref<2x120xi32, #tpu.memory_space<vmem>> -> memref<1x120xi32, #tpu.memory_space<vmem>>
        %dma_wait3A_310 = tpu.memref_squeeze %dma_wait3A_309 : memref<1x120xi32, #tpu.memory_space<vmem>> -> memref<120xi32, #tpu.memory_space<vmem>>
        %dma_wait3A_311 = arith.constant 0 : i32
        %dma_wait3A_312 = arith.constant 0 : i32
        %dma_wait3A_313 = tpu.memref_slice %arg2[%dma_wait3A_311, %dma_wait3A_312] : memref<20000x128xf32, #tpu.memory_space<hbm>> -> memref<20000x128xf32, #tpu.memory_space<hbm>>
        tpu.wait_indirect_dma semaphore(%arg23 : memref<!tpu.dma_semaphore, #tpu.memory_space<semaphore_mem>>) src(%dma_wait3A_313 : memref<20000x128xf32, #tpu.memory_space<hbm>>) dst(%arg13 : memref<120x128xf32, #tpu.memory_space<vmem>>)
        %dma_start3A_314 = arith.constant 1 : i32
        %dma_start3A_315 = arith.constant 0 : i32
        %dma_start3A_316 = tpu.memref_slice %arg10[%dma_start3A_314, %dma_start3A_315] : memref<2x120xi32, #tpu.memory_space<vmem>> -> memref<1x120xi32, #tpu.memory_space<vmem>>
        %dma_start3A_317 = tpu.memref_squeeze %dma_start3A_316 : memref<1x120xi32, #tpu.memory_space<vmem>> -> memref<120xi32, #tpu.memory_space<vmem>>
        %dma_start3A_318 = arith.constant 0 : i32
        %dma_start3A_319 = arith.constant 0 : i32
        %dma_start3A_320 = tpu.memref_slice %arg15[%dma_start3A_318, %dma_start3A_319] : memref<10240x128xf32, #tpu.memory_space<vmem_shared>> -> memref<10240x128xf32, #tpu.memory_space<vmem_shared>>
        tpu.enqueue_indirect_dma source(%arg13 : memref<120x128xf32, #tpu.memory_space<vmem>>) target(%dma_start3A_320 : memref<10240x128xf32, #tpu.memory_space<vmem_shared>>) offsets(%dma_start3A_317 : memref<120xi32, #tpu.memory_space<vmem>>) semaphore(%arg26 : memref<!tpu.dma_semaphore, #tpu.memory_space<semaphore_mem>>) {add = true}
      } else {
      }
      %dma_wait3A_80 = arith.constant 0 : i32
      %dma_wait3A_81 = arith.constant 0 : i32
      %dma_wait3A_82 = tpu.memref_slice %arg3[%arg0, %arg1, %add3A_66, %dma_wait3A_80, %dma_wait3A_81] : memref<2x16x84x2x120xi32, #tpu.memory_space<hbm>> -> memref<1x1x1x2x120xi32, #tpu.memory_space<hbm>>
      %dma_wait3A_83 = tpu.memref_squeeze %dma_wait3A_82 : memref<1x1x1x2x120xi32, #tpu.memory_space<hbm>> -> memref<2x120xi32, #tpu.memory_space<hbm>>
      %dma_wait3A_84 = arith.constant 0 : i32
      %dma_wait3A_85 = arith.constant 0 : i32
      %dma_wait3A_86 = tpu.memref_slice %arg3[%arg0, %arg1, %add3A_66, %dma_wait3A_84, %dma_wait3A_85] : memref<2x16x84x2x120xi32, #tpu.memory_space<hbm>> -> memref<1x1x1x2x120xi32, #tpu.memory_space<hbm>>
      %dma_wait3A_87 = tpu.memref_squeeze %dma_wait3A_86 : memref<1x1x1x2x120xi32, #tpu.memory_space<hbm>> -> memref<2x120xi32, #tpu.memory_space<hbm>>
      tpu.wait_dma2 semaphore(%arg16 : memref<!tpu.dma_semaphore, #tpu.memory_space<semaphore_mem>>) src(%dma_wait3A_87 : memref<2x120xi32, #tpu.memory_space<hbm>>) dst(%arg6 : memref<2x120xi32, #tpu.memory_space<vmem>>)
      %dma_start3A_88 = arith.constant 0 : i32
      %dma_start3A_89 = arith.constant 0 : i32
      %dma_start3A_90 = tpu.memref_slice %arg6[%dma_start3A_88, %dma_start3A_89] : memref<2x120xi32, #tpu.memory_space<vmem>> -> memref<1x120xi32, #tpu.memory_space<vmem>>
      %dma_start3A_91 = tpu.memref_squeeze %dma_start3A_90 : memref<1x120xi32, #tpu.memory_space<vmem>> -> memref<120xi32, #tpu.memory_space<vmem>>
      %dma_start3A_92 = arith.constant 0 : i32
      %dma_start3A_93 = arith.constant 0 : i32
      %dma_start3A_94 = tpu.memref_slice %arg2[%dma_start3A_92, %dma_start3A_93] : memref<20000x128xf32, #tpu.memory_space<hbm>> -> memref<20000x128xf32, #tpu.memory_space<hbm>>
      tpu.enqueue_indirect_dma source(%dma_start3A_94 : memref<20000x128xf32, #tpu.memory_space<hbm>>) target(%arg12 : memref<120x128xf32, #tpu.memory_space<vmem>>) offsets(%dma_start3A_91 : memref<120xi32, #tpu.memory_space<vmem>>) semaphore(%arg22 : memref<!tpu.dma_semaphore, #tpu.memory_space<semaphore_mem>>)
      %add3A_95 = arith.constant 1 : i32
      %add3A_96 = arith.addi %add3A_64, %add3A_95 : i32
      %ge3A_97 = arith.constant 3 : i32
      %ge3A_98 = arith.cmpi sge, %add3A_96, %ge3A_97 : i32
      %convert_element_type3A_99 = arith.extui %ge3A_98 : i1 to i32
      %cond3A_100 = arith.constant 0 : i32
      %cond3A_101 = arith.cmpi ne, %convert_element_type3A_99, %cond3A_100 : i32
      scf.if %cond3A_101 {
        %dma_wait3A_307 = arith.constant 1 : i32
        %dma_wait3A_308 = arith.constant 0 : i32
        %dma_wait3A_309 = tpu.memref_slice %arg10[%dma_wait3A_307, %dma_wait3A_308] : memref<2x120xi32, #tpu.memory_space<vmem>> -> memref<1x120xi32, #tpu.memory_space<vmem>>
        %dma_wait3A_310 = tpu.memref_squeeze %dma_wait3A_309 : memref<1x120xi32, #tpu.memory_space<vmem>> -> memref<120xi32, #tpu.memory_space<vmem>>
        %dma_wait3A_311 = arith.constant 0 : i32
        %dma_wait3A_312 = arith.constant 0 : i32
        %dma_wait3A_313 = tpu.memref_slice %arg15[%dma_wait3A_311, %dma_wait3A_312] : memref<10240x128xf32, #tpu.memory_space<vmem_shared>> -> memref<10240x128xf32, #tpu.memory_space<vmem_shared>>
        tpu.wait_indirect_dma semaphore(%arg26 : memref<!tpu.dma_semaphore, #tpu.memory_space<semaphore_mem>>) src(%arg13 : memref<120x128xf32, #tpu.memory_space<vmem>>) dst(%dma_wait3A_313 : memref<10240x128xf32, #tpu.memory_space<vmem_shared>>)
      } else {
      }
      %add3A_102 = arith.constant 3 : i32
      %add3A_103 = arith.addi %add3A_96, %add3A_102 : i32
      %lt3A_104 = arith.constant 84 : i32
      %lt3A_105 = arith.cmpi slt, %add3A_103, %lt3A_104 : i32
      %convert_element_type3A_106 = arith.extui %lt3A_105 : i1 to i32
      %cond3A_107 = arith.constant 0 : i32
      %cond3A_108 = arith.cmpi ne, %convert_element_type3A_106, %cond3A_107 : i32
      scf.if %cond3A_108 {
        %dma_start3A_307 = arith.constant 0 : i32
        %dma_start3A_308 = arith.constant 0 : i32
        %dma_start3A_309 = tpu.memref_slice %arg3[%arg0, %arg1, %add3A_103, %dma_start3A_307, %dma_start3A_308] : memref<2x16x84x2x120xi32, #tpu.memory_space<hbm>> -> memref<1x1x1x2x120xi32, #tpu.memory_space<hbm>>
        %dma_start3A_310 = tpu.memref_squeeze %dma_start3A_309 : memref<1x1x1x2x120xi32, #tpu.memory_space<hbm>> -> memref<2x120xi32, #tpu.memory_space<hbm>>
        %dma_start3A_311 = arith.constant 0 : i32
        %dma_start3A_312 = arith.constant 0 : i32
        %dma_start3A_313 = tpu.memref_slice %arg3[%arg0, %arg1, %add3A_103, %dma_start3A_311, %dma_start3A_312] : memref<2x16x84x2x120xi32, #tpu.memory_space<hbm>> -> memref<1x1x1x2x120xi32, #tpu.memory_space<hbm>>
        %dma_start3A_314 = tpu.memref_squeeze %dma_start3A_313 : memref<1x1x1x2x120xi32, #tpu.memory_space<hbm>> -> memref<2x120xi32, #tpu.memory_space<hbm>>
        tpu.enqueue_dma source(%dma_start3A_314 : memref<2x120xi32, #tpu.memory_space<hbm>>) target(%arg10 : memref<2x120xi32, #tpu.memory_space<vmem>>) target_semaphore(%arg20 : memref<!tpu.dma_semaphore, #tpu.memory_space<semaphore_mem>>)
      } else {
      }
      %ge3A_109 = arith.constant 2 : i32
      %ge3A_110 = arith.cmpi sge, %add3A_96, %ge3A_109 : i32
      %convert_element_type3A_111 = arith.extui %ge3A_110 : i1 to i32
      %cond3A_112 = arith.constant 0 : i32
      %cond3A_113 = arith.cmpi ne, %convert_element_type3A_111, %cond3A_112 : i32
      scf.if %cond3A_113 {
        %dma_wait3A_307 = arith.constant 0 : i32
        %dma_wait3A_308 = arith.constant 0 : i32
        %dma_wait3A_309 = tpu.memref_slice %arg11[%dma_wait3A_307, %dma_wait3A_308] : memref<2x120xi32, #tpu.memory_space<vmem>> -> memref<1x120xi32, #tpu.memory_space<vmem>>
        %dma_wait3A_310 = tpu.memref_squeeze %dma_wait3A_309 : memref<1x120xi32, #tpu.memory_space<vmem>> -> memref<120xi32, #tpu.memory_space<vmem>>
        %dma_wait3A_311 = arith.constant 0 : i32
        %dma_wait3A_312 = arith.constant 0 : i32
        %dma_wait3A_313 = tpu.memref_slice %arg2[%dma_wait3A_311, %dma_wait3A_312] : memref<20000x128xf32, #tpu.memory_space<hbm>> -> memref<20000x128xf32, #tpu.memory_space<hbm>>
        tpu.wait_indirect_dma semaphore(%arg24 : memref<!tpu.dma_semaphore, #tpu.memory_space<semaphore_mem>>) src(%dma_wait3A_313 : memref<20000x128xf32, #tpu.memory_space<hbm>>) dst(%arg14 : memref<120x128xf32, #tpu.memory_space<vmem>>)
        %dma_start3A_314 = arith.constant 1 : i32
        %dma_start3A_315 = arith.constant 0 : i32
        %dma_start3A_316 = tpu.memref_slice %arg11[%dma_start3A_314, %dma_start3A_315] : memref<2x120xi32, #tpu.memory_space<vmem>> -> memref<1x120xi32, #tpu.memory_space<vmem>>
        %dma_start3A_317 = tpu.memref_squeeze %dma_start3A_316 : memref<1x120xi32, #tpu.memory_space<vmem>> -> memref<120xi32, #tpu.memory_space<vmem>>
        %dma_start3A_318 = arith.constant 0 : i32
        %dma_start3A_319 = arith.constant 0 : i32
        %dma_start3A_320 = tpu.memref_slice %arg15[%dma_start3A_318, %dma_start3A_319] : memref<10240x128xf32, #tpu.memory_space<vmem_shared>> -> memref<10240x128xf32, #tpu.memory_space<vmem_shared>>
        tpu.enqueue_indirect_dma source(%arg14 : memref<120x128xf32, #tpu.memory_space<vmem>>) target(%dma_start3A_320 : memref<10240x128xf32, #tpu.memory_space<vmem_shared>>) offsets(%dma_start3A_317 : memref<120xi32, #tpu.memory_space<vmem>>) semaphore(%arg27 : memref<!tpu.dma_semaphore, #tpu.memory_space<semaphore_mem>>) {add = true}
      } else {
      }
      %dma_wait3A_114 = arith.constant 0 : i32
      %dma_wait3A_115 = arith.constant 0 : i32
      %dma_wait3A_116 = tpu.memref_slice %arg3[%arg0, %arg1, %add3A_96, %dma_wait3A_114, %dma_wait3A_115] : memref<2x16x84x2x120xi32, #tpu.memory_space<hbm>> -> memref<1x1x1x2x120xi32, #tpu.memory_space<hbm>>
      %dma_wait3A_117 = tpu.memref_squeeze %dma_wait3A_116 : memref<1x1x1x2x120xi32, #tpu.memory_space<hbm>> -> memref<2x120xi32, #tpu.memory_space<hbm>>
      %dma_wait3A_118 = arith.constant 0 : i32
      %dma_wait3A_119 = arith.constant 0 : i32
      %dma_wait3A_120 = tpu.memref_slice %arg3[%arg0, %arg1, %add3A_96, %dma_wait3A_118, %dma_wait3A_119] : memref<2x16x84x2x120xi32, #tpu.memory_space<hbm>> -> memref<1x1x1x2x120xi32, #tpu.memory_space<hbm>>
      %dma_wait3A_121 = tpu.memref_squeeze %dma_wait3A_120 : memref<1x1x1x2x120xi32, #tpu.memory_space<hbm>> -> memref<2x120xi32, #tpu.memory_space<hbm>>
      tpu.wait_dma2 semaphore(%arg17 : memref<!tpu.dma_semaphore, #tpu.memory_space<semaphore_mem>>) src(%dma_wait3A_121 : memref<2x120xi32, #tpu.memory_space<hbm>>) dst(%arg7 : memref<2x120xi32, #tpu.memory_space<vmem>>)
      %dma_start3A_122 = arith.constant 0 : i32
      %dma_start3A_123 = arith.constant 0 : i32
      %dma_start3A_124 = tpu.memref_slice %arg7[%dma_start3A_122, %dma_start3A_123] : memref<2x120xi32, #tpu.memory_space<vmem>> -> memref<1x120xi32, #tpu.memory_space<vmem>>
      %dma_start3A_125 = tpu.memref_squeeze %dma_start3A_124 : memref<1x120xi32, #tpu.memory_space<vmem>> -> memref<120xi32, #tpu.memory_space<vmem>>
      %dma_start3A_126 = arith.constant 0 : i32
      %dma_start3A_127 = arith.constant 0 : i32
      %dma_start3A_128 = tpu.memref_slice %arg2[%dma_start3A_126, %dma_start3A_127] : memref<20000x128xf32, #tpu.memory_space<hbm>> -> memref<20000x128xf32, #tpu.memory_space<hbm>>
      tpu.enqueue_indirect_dma source(%dma_start3A_128 : memref<20000x128xf32, #tpu.memory_space<hbm>>) target(%arg13 : memref<120x128xf32, #tpu.memory_space<vmem>>) offsets(%dma_start3A_125 : memref<120xi32, #tpu.memory_space<vmem>>) semaphore(%arg23 : memref<!tpu.dma_semaphore, #tpu.memory_space<semaphore_mem>>)
      %add3A_129 = arith.constant 2 : i32
      %add3A_130 = arith.addi %add3A_64, %add3A_129 : i32
      %ge3A_131 = arith.constant 3 : i32
      %ge3A_132 = arith.cmpi sge, %add3A_130, %ge3A_131 : i32
      %convert_element_type3A_133 = arith.extui %ge3A_132 : i1 to i32
      %cond3A_134 = arith.constant 0 : i32
      %cond3A_135 = arith.cmpi ne, %convert_element_type3A_133, %cond3A_134 : i32
      scf.if %cond3A_135 {
        %dma_wait3A_307 = arith.constant 1 : i32
        %dma_wait3A_308 = arith.constant 0 : i32
        %dma_wait3A_309 = tpu.memref_slice %arg11[%dma_wait3A_307, %dma_wait3A_308] : memref<2x120xi32, #tpu.memory_space<vmem>> -> memref<1x120xi32, #tpu.memory_space<vmem>>
        %dma_wait3A_310 = tpu.memref_squeeze %dma_wait3A_309 : memref<1x120xi32, #tpu.memory_space<vmem>> -> memref<120xi32, #tpu.memory_space<vmem>>
        %dma_wait3A_311 = arith.constant 0 : i32
        %dma_wait3A_312 = arith.constant 0 : i32
        %dma_wait3A_313 = tpu.memref_slice %arg15[%dma_wait3A_311, %dma_wait3A_312] : memref<10240x128xf32, #tpu.memory_space<vmem_shared>> -> memref<10240x128xf32, #tpu.memory_space<vmem_shared>>
        tpu.wait_indirect_dma semaphore(%arg27 : memref<!tpu.dma_semaphore, #tpu.memory_space<semaphore_mem>>) src(%arg14 : memref<120x128xf32, #tpu.memory_space<vmem>>) dst(%dma_wait3A_313 : memref<10240x128xf32, #tpu.memory_space<vmem_shared>>)
      } else {
      }
      %add3A_136 = arith.constant 3 : i32
      %add3A_137 = arith.addi %add3A_130, %add3A_136 : i32
      %lt3A_138 = arith.constant 84 : i32
      %lt3A_139 = arith.cmpi slt, %add3A_137, %lt3A_138 : i32
      %convert_element_type3A_140 = arith.extui %lt3A_139 : i1 to i32
      %cond3A_141 = arith.constant 0 : i32
      %cond3A_142 = arith.cmpi ne, %convert_element_type3A_140, %cond3A_141 : i32
      scf.if %cond3A_142 {
        %dma_start3A_307 = arith.constant 0 : i32
        %dma_start3A_308 = arith.constant 0 : i32
        %dma_start3A_309 = tpu.memref_slice %arg3[%arg0, %arg1, %add3A_137, %dma_start3A_307, %dma_start3A_308] : memref<2x16x84x2x120xi32, #tpu.memory_space<hbm>> -> memref<1x1x1x2x120xi32, #tpu.memory_space<hbm>>
        %dma_start3A_310 = tpu.memref_squeeze %dma_start3A_309 : memref<1x1x1x2x120xi32, #tpu.memory_space<hbm>> -> memref<2x120xi32, #tpu.memory_space<hbm>>
        %dma_start3A_311 = arith.constant 0 : i32
        %dma_start3A_312 = arith.constant 0 : i32
        %dma_start3A_313 = tpu.memref_slice %arg3[%arg0, %arg1, %add3A_137, %dma_start3A_311, %dma_start3A_312] : memref<2x16x84x2x120xi32, #tpu.memory_space<hbm>> -> memref<1x1x1x2x120xi32, #tpu.memory_space<hbm>>
        %dma_start3A_314 = tpu.memref_squeeze %dma_start3A_313 : memref<1x1x1x2x120xi32, #tpu.memory_space<hbm>> -> memref<2x120xi32, #tpu.memory_space<hbm>>
        tpu.enqueue_dma source(%dma_start3A_314 : memref<2x120xi32, #tpu.memory_space<hbm>>) target(%arg11 : memref<2x120xi32, #tpu.memory_space<vmem>>) target_semaphore(%arg21 : memref<!tpu.dma_semaphore, #tpu.memory_space<semaphore_mem>>)
      } else {
      }
      %dma_wait3A_143 = arith.constant 0 : i32
      %dma_wait3A_144 = arith.constant 0 : i32
      %dma_wait3A_145 = tpu.memref_slice %arg6[%dma_wait3A_143, %dma_wait3A_144] : memref<2x120xi32, #tpu.memory_space<vmem>> -> memref<1x120xi32, #tpu.memory_space<vmem>>
      %dma_wait3A_146 = tpu.memref_squeeze %dma_wait3A_145 : memref<1x120xi32, #tpu.memory_space<vmem>> -> memref<120xi32, #tpu.memory_space<vmem>>
      %dma_wait3A_147 = arith.constant 0 : i32
      %dma_wait3A_148 = arith.constant 0 : i32
      %dma_wait3A_149 = tpu.memref_slice %arg2[%dma_wait3A_147, %dma_wait3A_148] : memref<20000x128xf32, #tpu.memory_space<hbm>> -> memref<20000x128xf32, #tpu.memory_space<hbm>>
      tpu.wait_indirect_dma semaphore(%arg22 : memref<!tpu.dma_semaphore, #tpu.memory_space<semaphore_mem>>) src(%dma_wait3A_149 : memref<20000x128xf32, #tpu.memory_space<hbm>>) dst(%arg12 : memref<120x128xf32, #tpu.memory_space<vmem>>)
      %dma_start3A_150 = arith.constant 1 : i32
      %dma_start3A_151 = arith.constant 0 : i32
      %dma_start3A_152 = tpu.memref_slice %arg6[%dma_start3A_150, %dma_start3A_151] : memref<2x120xi32, #tpu.memory_space<vmem>> -> memref<1x120xi32, #tpu.memory_space<vmem>>
      %dma_start3A_153 = tpu.memref_squeeze %dma_start3A_152 : memref<1x120xi32, #tpu.memory_space<vmem>> -> memref<120xi32, #tpu.memory_space<vmem>>
      %dma_start3A_154 = arith.constant 0 : i32
      %dma_start3A_155 = arith.constant 0 : i32
      %dma_start3A_156 = tpu.memref_slice %arg15[%dma_start3A_154, %dma_start3A_155] : memref<10240x128xf32, #tpu.memory_space<vmem_shared>> -> memref<10240x128xf32, #tpu.memory_space<vmem_shared>>
      tpu.enqueue_indirect_dma source(%arg12 : memref<120x128xf32, #tpu.memory_space<vmem>>) target(%dma_start3A_156 : memref<10240x128xf32, #tpu.memory_space<vmem_shared>>) offsets(%dma_start3A_153 : memref<120xi32, #tpu.memory_space<vmem>>) semaphore(%arg25 : memref<!tpu.dma_semaphore, #tpu.memory_space<semaphore_mem>>) {add = true}
      %dma_wait3A_157 = arith.constant 0 : i32
      %dma_wait3A_158 = arith.constant 0 : i32
      %dma_wait3A_159 = tpu.memref_slice %arg3[%arg0, %arg1, %add3A_130, %dma_wait3A_157, %dma_wait3A_158] : memref<2x16x84x2x120xi32, #tpu.memory_space<hbm>> -> memref<1x1x1x2x120xi32, #tpu.memory_space<hbm>>
      %dma_wait3A_160 = tpu.memref_squeeze %dma_wait3A_159 : memref<1x1x1x2x120xi32, #tpu.memory_space<hbm>> -> memref<2x120xi32, #tpu.memory_space<hbm>>
      %dma_wait3A_161 = arith.constant 0 : i32
      %dma_wait3A_162 = arith.constant 0 : i32
      %dma_wait3A_163 = tpu.memref_slice %arg3[%arg0, %arg1, %add3A_130, %dma_wait3A_161, %dma_wait3A_162] : memref<2x16x84x2x120xi32, #tpu.memory_space<hbm>> -> memref<1x1x1x2x120xi32, #tpu.memory_space<hbm>>
      %dma_wait3A_164 = tpu.memref_squeeze %dma_wait3A_163 : memref<1x1x1x2x120xi32, #tpu.memory_space<hbm>> -> memref<2x120xi32, #tpu.memory_space<hbm>>
      tpu.wait_dma2 semaphore(%arg18 : memref<!tpu.dma_semaphore, #tpu.memory_space<semaphore_mem>>) src(%dma_wait3A_164 : memref<2x120xi32, #tpu.memory_space<hbm>>) dst(%arg8 : memref<2x120xi32, #tpu.memory_space<vmem>>)
      %dma_start3A_165 = arith.constant 0 : i32
      %dma_start3A_166 = arith.constant 0 : i32
      %dma_start3A_167 = tpu.memref_slice %arg8[%dma_start3A_165, %dma_start3A_166] : memref<2x120xi32, #tpu.memory_space<vmem>> -> memref<1x120xi32, #tpu.memory_space<vmem>>
      %dma_start3A_168 = tpu.memref_squeeze %dma_start3A_167 : memref<1x120xi32, #tpu.memory_space<vmem>> -> memref<120xi32, #tpu.memory_space<vmem>>
      %dma_start3A_169 = arith.constant 0 : i32
      %dma_start3A_170 = arith.constant 0 : i32
      %dma_start3A_171 = tpu.memref_slice %arg2[%dma_start3A_169, %dma_start3A_170] : memref<20000x128xf32, #tpu.memory_space<hbm>> -> memref<20000x128xf32, #tpu.memory_space<hbm>>
      tpu.enqueue_indirect_dma source(%dma_start3A_171 : memref<20000x128xf32, #tpu.memory_space<hbm>>) target(%arg14 : memref<120x128xf32, #tpu.memory_space<vmem>>) offsets(%dma_start3A_168 : memref<120xi32, #tpu.memory_space<vmem>>) semaphore(%arg24 : memref<!tpu.dma_semaphore, #tpu.memory_space<semaphore_mem>>)
      %add3A_172 = arith.constant 3 : i32
      %add3A_173 = arith.addi %add3A_64, %add3A_172 : i32
      %dma_wait3A_174 = arith.constant 1 : i32
      %dma_wait3A_175 = arith.constant 0 : i32
      %dma_wait3A_176 = tpu.memref_slice %arg6[%dma_wait3A_174, %dma_wait3A_175] : memref<2x120xi32, #tpu.memory_space<vmem>> -> memref<1x120xi32, #tpu.memory_space<vmem>>
      %dma_wait3A_177 = tpu.memref_squeeze %dma_wait3A_176 : memref<1x120xi32, #tpu.memory_space<vmem>> -> memref<120xi32, #tpu.memory_space<vmem>>
      %dma_wait3A_178 = arith.constant 0 : i32
      %dma_wait3A_179 = arith.constant 0 : i32
      %dma_wait3A_180 = tpu.memref_slice %arg15[%dma_wait3A_178, %dma_wait3A_179] : memref<10240x128xf32, #tpu.memory_space<vmem_shared>> -> memref<10240x128xf32, #tpu.memory_space<vmem_shared>>
      tpu.wait_indirect_dma semaphore(%arg25 : memref<!tpu.dma_semaphore, #tpu.memory_space<semaphore_mem>>) src(%arg12 : memref<120x128xf32, #tpu.memory_space<vmem>>) dst(%dma_wait3A_180 : memref<10240x128xf32, #tpu.memory_space<vmem_shared>>)
      %add3A_181 = arith.constant 3 : i32
      %add3A_182 = arith.addi %add3A_173, %add3A_181 : i32
      %lt3A_183 = arith.constant 84 : i32
      %lt3A_184 = arith.cmpi slt, %add3A_182, %lt3A_183 : i32
      %convert_element_type3A_185 = arith.extui %lt3A_184 : i1 to i32
      %cond3A_186 = arith.constant 0 : i32
      %cond3A_187 = arith.cmpi ne, %convert_element_type3A_185, %cond3A_186 : i32
      scf.if %cond3A_187 {
        %dma_start3A_307 = arith.constant 0 : i32
        %dma_start3A_308 = arith.constant 0 : i32
        %dma_start3A_309 = tpu.memref_slice %arg3[%arg0, %arg1, %add3A_182, %dma_start3A_307, %dma_start3A_308] : memref<2x16x84x2x120xi32, #tpu.memory_space<hbm>> -> memref<1x1x1x2x120xi32, #tpu.memory_space<hbm>>
        %dma_start3A_310 = tpu.memref_squeeze %dma_start3A_309 : memref<1x1x1x2x120xi32, #tpu.memory_space<hbm>> -> memref<2x120xi32, #tpu.memory_space<hbm>>
        %dma_start3A_311 = arith.constant 0 : i32
        %dma_start3A_312 = arith.constant 0 : i32
        %dma_start3A_313 = tpu.memref_slice %arg3[%arg0, %arg1, %add3A_182, %dma_start3A_311, %dma_start3A_312] : memref<2x16x84x2x120xi32, #tpu.memory_space<hbm>> -> memref<1x1x1x2x120xi32, #tpu.memory_space<hbm>>
        %dma_start3A_314 = tpu.memref_squeeze %dma_start3A_313 : memref<1x1x1x2x120xi32, #tpu.memory_space<hbm>> -> memref<2x120xi32, #tpu.memory_space<hbm>>
        tpu.enqueue_dma source(%dma_start3A_314 : memref<2x120xi32, #tpu.memory_space<hbm>>) target(%arg6 : memref<2x120xi32, #tpu.memory_space<vmem>>) target_semaphore(%arg16 : memref<!tpu.dma_semaphore, #tpu.memory_space<semaphore_mem>>)
      } else {
      }
      %dma_wait3A_188 = arith.constant 0 : i32
      %dma_wait3A_189 = arith.constant 0 : i32
      %dma_wait3A_190 = tpu.memref_slice %arg7[%dma_wait3A_188, %dma_wait3A_189] : memref<2x120xi32, #tpu.memory_space<vmem>> -> memref<1x120xi32, #tpu.memory_space<vmem>>
      %dma_wait3A_191 = tpu.memref_squeeze %dma_wait3A_190 : memref<1x120xi32, #tpu.memory_space<vmem>> -> memref<120xi32, #tpu.memory_space<vmem>>
      %dma_wait3A_192 = arith.constant 0 : i32
      %dma_wait3A_193 = arith.constant 0 : i32
      %dma_wait3A_194 = tpu.memref_slice %arg2[%dma_wait3A_192, %dma_wait3A_193] : memref<20000x128xf32, #tpu.memory_space<hbm>> -> memref<20000x128xf32, #tpu.memory_space<hbm>>
      tpu.wait_indirect_dma semaphore(%arg23 : memref<!tpu.dma_semaphore, #tpu.memory_space<semaphore_mem>>) src(%dma_wait3A_194 : memref<20000x128xf32, #tpu.memory_space<hbm>>) dst(%arg13 : memref<120x128xf32, #tpu.memory_space<vmem>>)
      %dma_start3A_195 = arith.constant 1 : i32
      %dma_start3A_196 = arith.constant 0 : i32
      %dma_start3A_197 = tpu.memref_slice %arg7[%dma_start3A_195, %dma_start3A_196] : memref<2x120xi32, #tpu.memory_space<vmem>> -> memref<1x120xi32, #tpu.memory_space<vmem>>
      %dma_start3A_198 = tpu.memref_squeeze %dma_start3A_197 : memref<1x120xi32, #tpu.memory_space<vmem>> -> memref<120xi32, #tpu.memory_space<vmem>>
      %dma_start3A_199 = arith.constant 0 : i32
      %dma_start3A_200 = arith.constant 0 : i32
      %dma_start3A_201 = tpu.memref_slice %arg15[%dma_start3A_199, %dma_start3A_200] : memref<10240x128xf32, #tpu.memory_space<vmem_shared>> -> memref<10240x128xf32, #tpu.memory_space<vmem_shared>>
      tpu.enqueue_indirect_dma source(%arg13 : memref<120x128xf32, #tpu.memory_space<vmem>>) target(%dma_start3A_201 : memref<10240x128xf32, #tpu.memory_space<vmem_shared>>) offsets(%dma_start3A_198 : memref<120xi32, #tpu.memory_space<vmem>>) semaphore(%arg26 : memref<!tpu.dma_semaphore, #tpu.memory_space<semaphore_mem>>) {add = true}
      %dma_wait3A_202 = arith.constant 0 : i32
      %dma_wait3A_203 = arith.constant 0 : i32
      %dma_wait3A_204 = tpu.memref_slice %arg3[%arg0, %arg1, %add3A_173, %dma_wait3A_202, %dma_wait3A_203] : memref<2x16x84x2x120xi32, #tpu.memory_space<hbm>> -> memref<1x1x1x2x120xi32, #tpu.memory_space<hbm>>
      %dma_wait3A_205 = tpu.memref_squeeze %dma_wait3A_204 : memref<1x1x1x2x120xi32, #tpu.memory_space<hbm>> -> memref<2x120xi32, #tpu.memory_space<hbm>>
      %dma_wait3A_206 = arith.constant 0 : i32
      %dma_wait3A_207 = arith.constant 0 : i32
      %dma_wait3A_208 = tpu.memref_slice %arg3[%arg0, %arg1, %add3A_173, %dma_wait3A_206, %dma_wait3A_207] : memref<2x16x84x2x120xi32, #tpu.memory_space<hbm>> -> memref<1x1x1x2x120xi32, #tpu.memory_space<hbm>>
      %dma_wait3A_209 = tpu.memref_squeeze %dma_wait3A_208 : memref<1x1x1x2x120xi32, #tpu.memory_space<hbm>> -> memref<2x120xi32, #tpu.memory_space<hbm>>
      tpu.wait_dma2 semaphore(%arg19 : memref<!tpu.dma_semaphore, #tpu.memory_space<semaphore_mem>>) src(%dma_wait3A_209 : memref<2x120xi32, #tpu.memory_space<hbm>>) dst(%arg9 : memref<2x120xi32, #tpu.memory_space<vmem>>)
      %dma_start3A_210 = arith.constant 0 : i32
      %dma_start3A_211 = arith.constant 0 : i32
      %dma_start3A_212 = tpu.memref_slice %arg9[%dma_start3A_210, %dma_start3A_211] : memref<2x120xi32, #tpu.memory_space<vmem>> -> memref<1x120xi32, #tpu.memory_space<vmem>>
      %dma_start3A_213 = tpu.memref_squeeze %dma_start3A_212 : memref<1x120xi32, #tpu.memory_space<vmem>> -> memref<120xi32, #tpu.memory_space<vmem>>
      %dma_start3A_214 = arith.constant 0 : i32
      %dma_start3A_215 = arith.constant 0 : i32
      %dma_start3A_216 = tpu.memref_slice %arg2[%dma_start3A_214, %dma_start3A_215] : memref<20000x128xf32, #tpu.memory_space<hbm>> -> memref<20000x128xf32, #tpu.memory_space<hbm>>
      tpu.enqueue_indirect_dma source(%dma_start3A_216 : memref<20000x128xf32, #tpu.memory_space<hbm>>) target(%arg12 : memref<120x128xf32, #tpu.memory_space<vmem>>) offsets(%dma_start3A_213 : memref<120xi32, #tpu.memory_space<vmem>>) semaphore(%arg22 : memref<!tpu.dma_semaphore, #tpu.memory_space<semaphore_mem>>)
      %add3A_217 = arith.constant 4 : i32
      %add3A_218 = arith.addi %add3A_64, %add3A_217 : i32
      %dma_wait3A_219 = arith.constant 1 : i32
      %dma_wait3A_220 = arith.constant 0 : i32
      %dma_wait3A_221 = tpu.memref_slice %arg7[%dma_wait3A_219, %dma_wait3A_220] : memref<2x120xi32, #tpu.memory_space<vmem>> -> memref<1x120xi32, #tpu.memory_space<vmem>>
      %dma_wait3A_222 = tpu.memref_squeeze %dma_wait3A_221 : memref<1x120xi32, #tpu.memory_space<vmem>> -> memref<120xi32, #tpu.memory_space<vmem>>
      %dma_wait3A_223 = arith.constant 0 : i32
      %dma_wait3A_224 = arith.constant 0 : i32
      %dma_wait3A_225 = tpu.memref_slice %arg15[%dma_wait3A_223, %dma_wait3A_224] : memref<10240x128xf32, #tpu.memory_space<vmem_shared>> -> memref<10240x128xf32, #tpu.memory_space<vmem_shared>>
      tpu.wait_indirect_dma semaphore(%arg26 : memref<!tpu.dma_semaphore, #tpu.memory_space<semaphore_mem>>) src(%arg13 : memref<120x128xf32, #tpu.memory_space<vmem>>) dst(%dma_wait3A_225 : memref<10240x128xf32, #tpu.memory_space<vmem_shared>>)
      %add3A_226 = arith.constant 3 : i32
      %add3A_227 = arith.addi %add3A_218, %add3A_226 : i32
      %lt3A_228 = arith.constant 84 : i32
      %lt3A_229 = arith.cmpi slt, %add3A_227, %lt3A_228 : i32
      %convert_element_type3A_230 = arith.extui %lt3A_229 : i1 to i32
      %cond3A_231 = arith.constant 0 : i32
      %cond3A_232 = arith.cmpi ne, %convert_element_type3A_230, %cond3A_231 : i32
      scf.if %cond3A_232 {
        %dma_start3A_307 = arith.constant 0 : i32
        %dma_start3A_308 = arith.constant 0 : i32
        %dma_start3A_309 = tpu.memref_slice %arg3[%arg0, %arg1, %add3A_227, %dma_start3A_307, %dma_start3A_308] : memref<2x16x84x2x120xi32, #tpu.memory_space<hbm>> -> memref<1x1x1x2x120xi32, #tpu.memory_space<hbm>>
        %dma_start3A_310 = tpu.memref_squeeze %dma_start3A_309 : memref<1x1x1x2x120xi32, #tpu.memory_space<hbm>> -> memref<2x120xi32, #tpu.memory_space<hbm>>
        %dma_start3A_311 = arith.constant 0 : i32
        %dma_start3A_312 = arith.constant 0 : i32
        %dma_start3A_313 = tpu.memref_slice %arg3[%arg0, %arg1, %add3A_227, %dma_start3A_311, %dma_start3A_312] : memref<2x16x84x2x120xi32, #tpu.memory_space<hbm>> -> memref<1x1x1x2x120xi32, #tpu.memory_space<hbm>>
        %dma_start3A_314 = tpu.memref_squeeze %dma_start3A_313 : memref<1x1x1x2x120xi32, #tpu.memory_space<hbm>> -> memref<2x120xi32, #tpu.memory_space<hbm>>
        tpu.enqueue_dma source(%dma_start3A_314 : memref<2x120xi32, #tpu.memory_space<hbm>>) target(%arg7 : memref<2x120xi32, #tpu.memory_space<vmem>>) target_semaphore(%arg17 : memref<!tpu.dma_semaphore, #tpu.memory_space<semaphore_mem>>)
      } else {
      }
      %dma_wait3A_233 = arith.constant 0 : i32
      %dma_wait3A_234 = arith.constant 0 : i32
      %dma_wait3A_235 = tpu.memref_slice %arg8[%dma_wait3A_233, %dma_wait3A_234] : memref<2x120xi32, #tpu.memory_space<vmem>> -> memref<1x120xi32, #tpu.memory_space<vmem>>
      %dma_wait3A_236 = tpu.memref_squeeze %dma_wait3A_235 : memref<1x120xi32, #tpu.memory_space<vmem>> -> memref<120xi32, #tpu.memory_space<vmem>>
      %dma_wait3A_237 = arith.constant 0 : i32
      %dma_wait3A_238 = arith.constant 0 : i32
      %dma_wait3A_239 = tpu.memref_slice %arg2[%dma_wait3A_237, %dma_wait3A_238] : memref<20000x128xf32, #tpu.memory_space<hbm>> -> memref<20000x128xf32, #tpu.memory_space<hbm>>
      tpu.wait_indirect_dma semaphore(%arg24 : memref<!tpu.dma_semaphore, #tpu.memory_space<semaphore_mem>>) src(%dma_wait3A_239 : memref<20000x128xf32, #tpu.memory_space<hbm>>) dst(%arg14 : memref<120x128xf32, #tpu.memory_space<vmem>>)
      %dma_start3A_240 = arith.constant 1 : i32
      %dma_start3A_241 = arith.constant 0 : i32
      %dma_start3A_242 = tpu.memref_slice %arg8[%dma_start3A_240, %dma_start3A_241] : memref<2x120xi32, #tpu.memory_space<vmem>> -> memref<1x120xi32, #tpu.memory_space<vmem>>
      %dma_start3A_243 = tpu.memref_squeeze %dma_start3A_242 : memref<1x120xi32, #tpu.memory_space<vmem>> -> memref<120xi32, #tpu.memory_space<vmem>>
      %dma_start3A_244 = arith.constant 0 : i32
      %dma_start3A_245 = arith.constant 0 : i32
      %dma_start3A_246 = tpu.memref_slice %arg15[%dma_start3A_244, %dma_start3A_245] : memref<10240x128xf32, #tpu.memory_space<vmem_shared>> -> memref<10240x128xf32, #tpu.memory_space<vmem_shared>>
      tpu.enqueue_indirect_dma source(%arg14 : memref<120x128xf32, #tpu.memory_space<vmem>>) target(%dma_start3A_246 : memref<10240x128xf32, #tpu.memory_space<vmem_shared>>) offsets(%dma_start3A_243 : memref<120xi32, #tpu.memory_space<vmem>>) semaphore(%arg27 : memref<!tpu.dma_semaphore, #tpu.memory_space<semaphore_mem>>) {add = true}
      %dma_wait3A_247 = arith.constant 0 : i32
      %dma_wait3A_248 = arith.constant 0 : i32
      %dma_wait3A_249 = tpu.memref_slice %arg3[%arg0, %arg1, %add3A_218, %dma_wait3A_247, %dma_wait3A_248] : memref<2x16x84x2x120xi32, #tpu.memory_space<hbm>> -> memref<1x1x1x2x120xi32, #tpu.memory_space<hbm>>
      %dma_wait3A_250 = tpu.memref_squeeze %dma_wait3A_249 : memref<1x1x1x2x120xi32, #tpu.memory_space<hbm>> -> memref<2x120xi32, #tpu.memory_space<hbm>>
      %dma_wait3A_251 = arith.constant 0 : i32
      %dma_wait3A_252 = arith.constant 0 : i32
      %dma_wait3A_253 = tpu.memref_slice %arg3[%arg0, %arg1, %add3A_218, %dma_wait3A_251, %dma_wait3A_252] : memref<2x16x84x2x120xi32, #tpu.memory_space<hbm>> -> memref<1x1x1x2x120xi32, #tpu.memory_space<hbm>>
      %dma_wait3A_254 = tpu.memref_squeeze %dma_wait3A_253 : memref<1x1x1x2x120xi32, #tpu.memory_space<hbm>> -> memref<2x120xi32, #tpu.memory_space<hbm>>
      tpu.wait_dma2 semaphore(%arg20 : memref<!tpu.dma_semaphore, #tpu.memory_space<semaphore_mem>>) src(%dma_wait3A_254 : memref<2x120xi32, #tpu.memory_space<hbm>>) dst(%arg10 : memref<2x120xi32, #tpu.memory_space<vmem>>)
      %dma_start3A_255 = arith.constant 0 : i32
      %dma_start3A_256 = arith.constant 0 : i32
      %dma_start3A_257 = tpu.memref_slice %arg10[%dma_start3A_255, %dma_start3A_256] : memref<2x120xi32, #tpu.memory_space<vmem>> -> memref<1x120xi32, #tpu.memory_space<vmem>>
      %dma_start3A_258 = tpu.memref_squeeze %dma_start3A_257 : memref<1x120xi32, #tpu.memory_space<vmem>> -> memref<120xi32, #tpu.memory_space<vmem>>
      %dma_start3A_259 = arith.constant 0 : i32
      %dma_start3A_260 = arith.constant 0 : i32
      %dma_start3A_261 = tpu.memref_slice %arg2[%dma_start3A_259, %dma_start3A_260] : memref<20000x128xf32, #tpu.memory_space<hbm>> -> memref<20000x128xf32, #tpu.memory_space<hbm>>
      tpu.enqueue_indirect_dma source(%dma_start3A_261 : memref<20000x128xf32, #tpu.memory_space<hbm>>) target(%arg13 : memref<120x128xf32, #tpu.memory_space<vmem>>) offsets(%dma_start3A_258 : memref<120xi32, #tpu.memory_space<vmem>>) semaphore(%arg23 : memref<!tpu.dma_semaphore, #tpu.memory_space<semaphore_mem>>)
      %add3A_262 = arith.constant 5 : i32
      %add3A_263 = arith.addi %add3A_64, %add3A_262 : i32
      %dma_wait3A_264 = arith.constant 1 : i32
      %dma_wait3A_265 = arith.constant 0 : i32
      %dma_wait3A_266 = tpu.memref_slice %arg8[%dma_wait3A_264, %dma_wait3A_265] : memref<2x120xi32, #tpu.memory_space<vmem>> -> memref<1x120xi32, #tpu.memory_space<vmem>>
      %dma_wait3A_267 = tpu.memref_squeeze %dma_wait3A_266 : memref<1x120xi32, #tpu.memory_space<vmem>> -> memref<120xi32, #tpu.memory_space<vmem>>
      %dma_wait3A_268 = arith.constant 0 : i32
      %dma_wait3A_269 = arith.constant 0 : i32
      %dma_wait3A_270 = tpu.memref_slice %arg15[%dma_wait3A_268, %dma_wait3A_269] : memref<10240x128xf32, #tpu.memory_space<vmem_shared>> -> memref<10240x128xf32, #tpu.memory_space<vmem_shared>>
      tpu.wait_indirect_dma semaphore(%arg27 : memref<!tpu.dma_semaphore, #tpu.memory_space<semaphore_mem>>) src(%arg14 : memref<120x128xf32, #tpu.memory_space<vmem>>) dst(%dma_wait3A_270 : memref<10240x128xf32, #tpu.memory_space<vmem_shared>>)
      %add3A_271 = arith.constant 3 : i32
      %add3A_272 = arith.addi %add3A_263, %add3A_271 : i32
      %lt3A_273 = arith.constant 84 : i32
      %lt3A_274 = arith.cmpi slt, %add3A_272, %lt3A_273 : i32
      %convert_element_type3A_275 = arith.extui %lt3A_274 : i1 to i32
      %cond3A_276 = arith.constant 0 : i32
      %cond3A_277 = arith.cmpi ne, %convert_element_type3A_275, %cond3A_276 : i32
      scf.if %cond3A_277 {
        %dma_start3A_307 = arith.constant 0 : i32
        %dma_start3A_308 = arith.constant 0 : i32
        %dma_start3A_309 = tpu.memref_slice %arg3[%arg0, %arg1, %add3A_272, %dma_start3A_307, %dma_start3A_308] : memref<2x16x84x2x120xi32, #tpu.memory_space<hbm>> -> memref<1x1x1x2x120xi32, #tpu.memory_space<hbm>>
        %dma_start3A_310 = tpu.memref_squeeze %dma_start3A_309 : memref<1x1x1x2x120xi32, #tpu.memory_space<hbm>> -> memref<2x120xi32, #tpu.memory_space<hbm>>
        %dma_start3A_311 = arith.constant 0 : i32
        %dma_start3A_312 = arith.constant 0 : i32
        %dma_start3A_313 = tpu.memref_slice %arg3[%arg0, %arg1, %add3A_272, %dma_start3A_311, %dma_start3A_312] : memref<2x16x84x2x120xi32, #tpu.memory_space<hbm>> -> memref<1x1x1x2x120xi32, #tpu.memory_space<hbm>>
        %dma_start3A_314 = tpu.memref_squeeze %dma_start3A_313 : memref<1x1x1x2x120xi32, #tpu.memory_space<hbm>> -> memref<2x120xi32, #tpu.memory_space<hbm>>
        tpu.enqueue_dma source(%dma_start3A_314 : memref<2x120xi32, #tpu.memory_space<hbm>>) target(%arg8 : memref<2x120xi32, #tpu.memory_space<vmem>>) target_semaphore(%arg18 : memref<!tpu.dma_semaphore, #tpu.memory_space<semaphore_mem>>)
      } else {
      }
      %dma_wait3A_278 = arith.constant 0 : i32
      %dma_wait3A_279 = arith.constant 0 : i32
      %dma_wait3A_280 = tpu.memref_slice %arg9[%dma_wait3A_278, %dma_wait3A_279] : memref<2x120xi32, #tpu.memory_space<vmem>> -> memref<1x120xi32, #tpu.memory_space<vmem>>
      %dma_wait3A_281 = tpu.memref_squeeze %dma_wait3A_280 : memref<1x120xi32, #tpu.memory_space<vmem>> -> memref<120xi32, #tpu.memory_space<vmem>>
      %dma_wait3A_282 = arith.constant 0 : i32
      %dma_wait3A_283 = arith.constant 0 : i32
      %dma_wait3A_284 = tpu.memref_slice %arg2[%dma_wait3A_282, %dma_wait3A_283] : memref<20000x128xf32, #tpu.memory_space<hbm>> -> memref<20000x128xf32, #tpu.memory_space<hbm>>
      tpu.wait_indirect_dma semaphore(%arg22 : memref<!tpu.dma_semaphore, #tpu.memory_space<semaphore_mem>>) src(%dma_wait3A_284 : memref<20000x128xf32, #tpu.memory_space<hbm>>) dst(%arg12 : memref<120x128xf32, #tpu.memory_space<vmem>>)
      %dma_start3A_285 = arith.constant 1 : i32
      %dma_start3A_286 = arith.constant 0 : i32
      %dma_start3A_287 = tpu.memref_slice %arg9[%dma_start3A_285, %dma_start3A_286] : memref<2x120xi32, #tpu.memory_space<vmem>> -> memref<1x120xi32, #tpu.memory_space<vmem>>
      %dma_start3A_288 = tpu.memref_squeeze %dma_start3A_287 : memref<1x120xi32, #tpu.memory_space<vmem>> -> memref<120xi32, #tpu.memory_space<vmem>>
      %dma_start3A_289 = arith.constant 0 : i32
      %dma_start3A_290 = arith.constant 0 : i32
      %dma_start3A_291 = tpu.memref_slice %arg15[%dma_start3A_289, %dma_start3A_290] : memref<10240x128xf32, #tpu.memory_space<vmem_shared>> -> memref<10240x128xf32, #tpu.memory_space<vmem_shared>>
      tpu.enqueue_indirect_dma source(%arg12 : memref<120x128xf32, #tpu.memory_space<vmem>>) target(%dma_start3A_291 : memref<10240x128xf32, #tpu.memory_space<vmem_shared>>) offsets(%dma_start3A_288 : memref<120xi32, #tpu.memory_space<vmem>>) semaphore(%arg25 : memref<!tpu.dma_semaphore, #tpu.memory_space<semaphore_mem>>) {add = true}
      %dma_wait3A_292 = arith.constant 0 : i32
      %dma_wait3A_293 = arith.constant 0 : i32
      %dma_wait3A_294 = tpu.memref_slice %arg3[%arg0, %arg1, %add3A_263, %dma_wait3A_292, %dma_wait3A_293] : memref<2x16x84x2x120xi32, #tpu.memory_space<hbm>> -> memref<1x1x1x2x120xi32, #tpu.memory_space<hbm>>
      %dma_wait3A_295 = tpu.memref_squeeze %dma_wait3A_294 : memref<1x1x1x2x120xi32, #tpu.memory_space<hbm>> -> memref<2x120xi32, #tpu.memory_space<hbm>>
      %dma_wait3A_296 = arith.constant 0 : i32
      %dma_wait3A_297 = arith.constant 0 : i32
      %dma_wait3A_298 = tpu.memref_slice %arg3[%arg0, %arg1, %add3A_263, %dma_wait3A_296, %dma_wait3A_297] : memref<2x16x84x2x120xi32, #tpu.memory_space<hbm>> -> memref<1x1x1x2x120xi32, #tpu.memory_space<hbm>>
      %dma_wait3A_299 = tpu.memref_squeeze %dma_wait3A_298 : memref<1x1x1x2x120xi32, #tpu.memory_space<hbm>> -> memref<2x120xi32, #tpu.memory_space<hbm>>
      tpu.wait_dma2 semaphore(%arg21 : memref<!tpu.dma_semaphore, #tpu.memory_space<semaphore_mem>>) src(%dma_wait3A_299 : memref<2x120xi32, #tpu.memory_space<hbm>>) dst(%arg11 : memref<2x120xi32, #tpu.memory_space<vmem>>)
      %dma_start3A_300 = arith.constant 0 : i32
      %dma_start3A_301 = arith.constant 0 : i32
      %dma_start3A_302 = tpu.memref_slice %arg11[%dma_start3A_300, %dma_start3A_301] : memref<2x120xi32, #tpu.memory_space<vmem>> -> memref<1x120xi32, #tpu.memory_space<vmem>>
      %dma_start3A_303 = tpu.memref_squeeze %dma_start3A_302 : memref<1x120xi32, #tpu.memory_space<vmem>> -> memref<120xi32, #tpu.memory_space<vmem>>
      %dma_start3A_304 = arith.constant 0 : i32
      %dma_start3A_305 = arith.constant 0 : i32
      %dma_start3A_306 = tpu.memref_slice %arg2[%dma_start3A_304, %dma_start3A_305] : memref<20000x128xf32, #tpu.memory_space<hbm>> -> memref<20000x128xf32, #tpu.memory_space<hbm>>
      tpu.enqueue_indirect_dma source(%dma_start3A_306 : memref<20000x128xf32, #tpu.memory_space<hbm>>) target(%arg14 : memref<120x128xf32, #tpu.memory_space<vmem>>) offsets(%dma_start3A_303 : memref<120xi32, #tpu.memory_space<vmem>>) semaphore(%arg24 : memref<!tpu.dma_semaphore, #tpu.memory_space<semaphore_mem>>)
    }
    %scan3A_34 = arith.constant 14 : i32
    %dma_wait3A = arith.constant 1 : i32
    %dma_wait3A_35 = arith.constant 0 : i32
    %dma_wait3A_36 = tpu.memref_slice %arg9[%dma_wait3A, %dma_wait3A_35] : memref<2x120xi32, #tpu.memory_space<vmem>> -> memref<1x120xi32, #tpu.memory_space<vmem>>
    %dma_wait3A_37 = tpu.memref_squeeze %dma_wait3A_36 : memref<1x120xi32, #tpu.memory_space<vmem>> -> memref<120xi32, #tpu.memory_space<vmem>>
    %dma_wait3A_38 = arith.constant 0 : i32
    %dma_wait3A_39 = arith.constant 0 : i32
    %dma_wait3A_40 = tpu.memref_slice %arg15[%dma_wait3A_38, %dma_wait3A_39] : memref<10240x128xf32, #tpu.memory_space<vmem_shared>> -> memref<10240x128xf32, #tpu.memory_space<vmem_shared>>
    tpu.wait_indirect_dma semaphore(%arg25 : memref<!tpu.dma_semaphore, #tpu.memory_space<semaphore_mem>>) src(%arg12 : memref<120x128xf32, #tpu.memory_space<vmem>>) dst(%dma_wait3A_40 : memref<10240x128xf32, #tpu.memory_space<vmem_shared>>)
    %dma_wait3A_41 = arith.constant 0 : i32
    %dma_wait3A_42 = arith.constant 0 : i32
    %dma_wait3A_43 = tpu.memref_slice %arg10[%dma_wait3A_41, %dma_wait3A_42] : memref<2x120xi32, #tpu.memory_space<vmem>> -> memref<1x120xi32, #tpu.memory_space<vmem>>
    %dma_wait3A_44 = tpu.memref_squeeze %dma_wait3A_43 : memref<1x120xi32, #tpu.memory_space<vmem>> -> memref<120xi32, #tpu.memory_space<vmem>>
    %dma_wait3A_45 = arith.constant 0 : i32
    %dma_wait3A_46 = arith.constant 0 : i32
    %dma_wait3A_47 = tpu.memref_slice %arg2[%dma_wait3A_45, %dma_wait3A_46] : memref<20000x128xf32, #tpu.memory_space<hbm>> -> memref<20000x128xf32, #tpu.memory_space<hbm>>
    tpu.wait_indirect_dma semaphore(%arg23 : memref<!tpu.dma_semaphore, #tpu.memory_space<semaphore_mem>>) src(%dma_wait3A_47 : memref<20000x128xf32, #tpu.memory_space<hbm>>) dst(%arg13 : memref<120x128xf32, #tpu.memory_space<vmem>>)
    %run_scoped3A = arith.constant 1 : i32
    "tpu.region"() ({
      %run_scoped3A_62 = tpu.sem_alloc : memref<!tpu.dma_semaphore, #tpu.memory_space<semaphore_mem>>
      %dma_start3A_63 = arith.constant 0 : i32
      %dma_start3A_64 = tpu.memref_slice %arg10[%run_scoped3A, %dma_start3A_63] : memref<2x120xi32, #tpu.memory_space<vmem>> -> memref<1x120xi32, #tpu.memory_space<vmem>>
      %dma_start3A_65 = tpu.memref_squeeze %dma_start3A_64 : memref<1x120xi32, #tpu.memory_space<vmem>> -> memref<120xi32, #tpu.memory_space<vmem>>
      %dma_start3A_66 = arith.constant 0 : i32
      %dma_start3A_67 = arith.constant 0 : i32
      %dma_start3A_68 = tpu.memref_slice %arg15[%dma_start3A_66, %dma_start3A_67] : memref<10240x128xf32, #tpu.memory_space<vmem_shared>> -> memref<10240x128xf32, #tpu.memory_space<vmem_shared>>
      tpu.enqueue_indirect_dma source(%arg13 : memref<120x128xf32, #tpu.memory_space<vmem>>) target(%dma_start3A_68 : memref<10240x128xf32, #tpu.memory_space<vmem_shared>>) offsets(%dma_start3A_65 : memref<120xi32, #tpu.memory_space<vmem>>) semaphore(%run_scoped3A_62 : memref<!tpu.dma_semaphore, #tpu.memory_space<semaphore_mem>>) {add = true}
      %dma_wait3A_69 = arith.constant 0 : i32
      %dma_wait3A_70 = tpu.memref_slice %arg10[%run_scoped3A, %dma_wait3A_69] : memref<2x120xi32, #tpu.memory_space<vmem>> -> memref<1x120xi32, #tpu.memory_space<vmem>>
      %dma_wait3A_71 = tpu.memref_squeeze %dma_wait3A_70 : memref<1x120xi32, #tpu.memory_space<vmem>> -> memref<120xi32, #tpu.memory_space<vmem>>
      %dma_wait3A_72 = arith.constant 0 : i32
      %dma_wait3A_73 = arith.constant 0 : i32
      %dma_wait3A_74 = tpu.memref_slice %arg15[%dma_wait3A_72, %dma_wait3A_73] : memref<10240x128xf32, #tpu.memory_space<vmem_shared>> -> memref<10240x128xf32, #tpu.memory_space<vmem_shared>>
      tpu.wait_indirect_dma semaphore(%run_scoped3A_62 : memref<!tpu.dma_semaphore, #tpu.memory_space<semaphore_mem>>) src(%arg13 : memref<120x128xf32, #tpu.memory_space<vmem>>) dst(%dma_wait3A_74 : memref<10240x128xf32, #tpu.memory_space<vmem_shared>>)
      tpu.yield
    }) : () -> ()
    %dma_wait3A_48 = arith.constant 0 : i32
    %dma_wait3A_49 = arith.constant 0 : i32
    %dma_wait3A_50 = tpu.memref_slice %arg11[%dma_wait3A_48, %dma_wait3A_49] : memref<2x120xi32, #tpu.memory_space<vmem>> -> memref<1x120xi32, #tpu.memory_space<vmem>>
    %dma_wait3A_51 = tpu.memref_squeeze %dma_wait3A_50 : memref<1x120xi32, #tpu.memory_space<vmem>> -> memref<120xi32, #tpu.memory_space<vmem>>
    %dma_wait3A_52 = arith.constant 0 : i32
    %dma_wait3A_53 = arith.constant 0 : i32
    %dma_wait3A_54 = tpu.memref_slice %arg2[%dma_wait3A_52, %dma_wait3A_53] : memref<20000x128xf32, #tpu.memory_space<hbm>> -> memref<20000x128xf32, #tpu.memory_space<hbm>>
    tpu.wait_indirect_dma semaphore(%arg24 : memref<!tpu.dma_semaphore, #tpu.memory_space<semaphore_mem>>) src(%dma_wait3A_54 : memref<20000x128xf32, #tpu.memory_space<hbm>>) dst(%arg14 : memref<120x128xf32, #tpu.memory_space<vmem>>)
    %run_scoped3A_55 = arith.constant 1 : i32
    "tpu.region"() ({
      %run_scoped3A_62 = tpu.sem_alloc : memref<!tpu.dma_semaphore, #tpu.memory_space<semaphore_mem>>
      %dma_start3A_63 = arith.constant 0 : i32
      %dma_start3A_64 = tpu.memref_slice %arg11[%run_scoped3A_55, %dma_start3A_63] : memref<2x120xi32, #tpu.memory_space<vmem>> -> memref<1x120xi32, #tpu.memory_space<vmem>>
      %dma_start3A_65 = tpu.memref_squeeze %dma_start3A_64 : memref<1x120xi32, #tpu.memory_space<vmem>> -> memref<120xi32, #tpu.memory_space<vmem>>
      %dma_start3A_66 = arith.constant 0 : i32
      %dma_start3A_67 = arith.constant 0 : i32
      %dma_start3A_68 = tpu.memref_slice %arg15[%dma_start3A_66, %dma_start3A_67] : memref<10240x128xf32, #tpu.memory_space<vmem_shared>> -> memref<10240x128xf32, #tpu.memory_space<vmem_shared>>
      tpu.enqueue_indirect_dma source(%arg14 : memref<120x128xf32, #tpu.memory_space<vmem>>) target(%dma_start3A_68 : memref<10240x128xf32, #tpu.memory_space<vmem_shared>>) offsets(%dma_start3A_65 : memref<120xi32, #tpu.memory_space<vmem>>) semaphore(%run_scoped3A_62 : memref<!tpu.dma_semaphore, #tpu.memory_space<semaphore_mem>>) {add = true}
      %dma_wait3A_69 = arith.constant 0 : i32
      %dma_wait3A_70 = tpu.memref_slice %arg11[%run_scoped3A_55, %dma_wait3A_69] : memref<2x120xi32, #tpu.memory_space<vmem>> -> memref<1x120xi32, #tpu.memory_space<vmem>>
      %dma_wait3A_71 = tpu.memref_squeeze %dma_wait3A_70 : memref<1x120xi32, #tpu.memory_space<vmem>> -> memref<120xi32, #tpu.memory_space<vmem>>
      %dma_wait3A_72 = arith.constant 0 : i32
      %dma_wait3A_73 = arith.constant 0 : i32
      %dma_wait3A_74 = tpu.memref_slice %arg15[%dma_wait3A_72, %dma_wait3A_73] : memref<10240x128xf32, #tpu.memory_space<vmem_shared>> -> memref<10240x128xf32, #tpu.memory_space<vmem_shared>>
      tpu.wait_indirect_dma semaphore(%run_scoped3A_62 : memref<!tpu.dma_semaphore, #tpu.memory_space<semaphore_mem>>) src(%arg14 : memref<120x128xf32, #tpu.memory_space<vmem>>) dst(%dma_wait3A_74 : memref<10240x128xf32, #tpu.memory_space<vmem_shared>>)
      tpu.yield
    }) : () -> ()
    %barrier3A_56 = arith.constant 0 : index
    tpu.barrier barrier_id(%barrier3A_56)
    %scan3A_57 = arith.constant 0 : i32
    %scan3A_58 = arith.constant 4 : i32
    %scan3A_59 = arith.addi %scan3A_57, %scan3A_58 : i32
    %scan3A_60 = arith.constant 1 : i32
    scf.for %scan3A_62 = %scan3A_57 to %scan3A_59 step %scan3A_60  : i32 {
      %mul3A = arith.constant 160 : i32
      %mul3A_63 = arith.muli %scan3A_62, %mul3A : i32
      %add3A = arith.constant 0 : i32
      %add3A_64 = arith.addi %add3A, %mul3A_63 : i32
      %mul3A_65 = arith.constant 640 : i32
      %mul3A_66 = arith.muli %arg1, %mul3A_65 : i32
      %add3A_67 = arith.addi %mul3A_66, %add3A_64 : i32
      "tpu.region"() ({
        %run_scoped3A_81 = tpu.sem_alloc : memref<!tpu.dma_semaphore, #tpu.memory_space<semaphore_mem>>
        %dma_start3A_82 = arith.constant 0 : i32
        %dma_start3A_83 = arith.constant 0 : i32
        %dma_start3A_84 = tpu.memref_slice %arg12[%dma_start3A_82, %dma_start3A_83] : memref<120x128xf32, #tpu.memory_space<vmem>> -> memref<80x128xf32, #tpu.memory_space<vmem>>
        %dma_start3A_85 = arith.constant 0 : i32
        %dma_start3A_86 = tpu.memref_slice %arg15[%add3A_67, %dma_start3A_85] : memref<10240x128xf32, #tpu.memory_space<vmem_shared>> -> memref<80x128xf32, #tpu.memory_space<vmem_shared>>
        %dma_start3A_87 = arith.constant 0 : i32
        %dma_start3A_88 = arith.constant 0 : i32
        %dma_start3A_89 = tpu.memref_slice %arg12[%dma_start3A_87, %dma_start3A_88] : memref<120x128xf32, #tpu.memory_space<vmem>> -> memref<80x128xf32, #tpu.memory_space<vmem>>
        %dma_start3A_90 = arith.constant 0 : i32
        %dma_start3A_91 = tpu.memref_slice %arg15[%add3A_67, %dma_start3A_90] : memref<10240x128xf32, #tpu.memory_space<vmem_shared>> -> memref<80x128xf32, #tpu.memory_space<vmem_shared>>
        tpu.enqueue_dma source(%dma_start3A_91 : memref<80x128xf32, #tpu.memory_space<vmem_shared>>) target(%dma_start3A_89 : memref<80x128xf32, #tpu.memory_space<vmem>>) target_semaphore(%run_scoped3A_81 : memref<!tpu.dma_semaphore, #tpu.memory_space<semaphore_mem>>)
        %dma_wait3A_92 = arith.constant 0 : i32
        %dma_wait3A_93 = arith.constant 0 : i32
        %dma_wait3A_94 = tpu.memref_slice %arg12[%dma_wait3A_92, %dma_wait3A_93] : memref<120x128xf32, #tpu.memory_space<vmem>> -> memref<80x128xf32, #tpu.memory_space<vmem>>
        %dma_wait3A_95 = arith.constant 0 : i32
        %dma_wait3A_96 = tpu.memref_slice %arg15[%add3A_67, %dma_wait3A_95] : memref<10240x128xf32, #tpu.memory_space<vmem_shared>> -> memref<80x128xf32, #tpu.memory_space<vmem_shared>>
        %dma_wait3A_97 = arith.constant 0 : i32
        %dma_wait3A_98 = arith.constant 0 : i32
        %dma_wait3A_99 = tpu.memref_slice %arg12[%dma_wait3A_97, %dma_wait3A_98] : memref<120x128xf32, #tpu.memory_space<vmem>> -> memref<80x128xf32, #tpu.memory_space<vmem>>
        %dma_wait3A_100 = arith.constant 0 : i32
        %dma_wait3A_101 = tpu.memref_slice %arg15[%add3A_67, %dma_wait3A_100] : memref<10240x128xf32, #tpu.memory_space<vmem_shared>> -> memref<80x128xf32, #tpu.memory_space<vmem_shared>>
        tpu.wait_dma2 semaphore(%run_scoped3A_81 : memref<!tpu.dma_semaphore, #tpu.memory_space<semaphore_mem>>) src(%dma_wait3A_101 : memref<80x128xf32, #tpu.memory_space<vmem_shared>>) dst(%dma_wait3A_99 : memref<80x128xf32, #tpu.memory_space<vmem>>)
        tpu.yield
      }) : () -> ()
      %mul3A_68 = arith.constant 640 : i32
      %mul3A_69 = arith.muli %arg1, %mul3A_68 : i32
      %add3A_70 = arith.addi %mul3A_69, %add3A_64 : i32
      "tpu.region"() ({
        %run_scoped3A_81 = tpu.sem_alloc : memref<!tpu.dma_semaphore, #tpu.memory_space<semaphore_mem>>
        %dma_start3A_82 = arith.constant 0 : i32
        %dma_start3A_83 = arith.constant 0 : i32
        %dma_start3A_84 = tpu.memref_slice %arg12[%dma_start3A_82, %dma_start3A_83] : memref<120x128xf32, #tpu.memory_space<vmem>> -> memref<80x128xf32, #tpu.memory_space<vmem>>
        %dma_start3A_85 = arith.constant 0 : i32
        %dma_start3A_86 = tpu.memref_slice %arg5[%arg0, %add3A_70, %dma_start3A_85] : memref<2x10240x128xf32, #tpu.memory_space<hbm>> -> memref<1x80x128xf32, #tpu.memory_space<hbm>>
        %dma_start3A_87 = tpu.memref_squeeze %dma_start3A_86 : memref<1x80x128xf32, #tpu.memory_space<hbm>> -> memref<80x128xf32, #tpu.memory_space<hbm>>
        %dma_start3A_88 = arith.constant 0 : i32
        %dma_start3A_89 = tpu.memref_slice %arg5[%arg0, %add3A_70, %dma_start3A_88] : memref<2x10240x128xf32, #tpu.memory_space<hbm>> -> memref<1x80x128xf32, #tpu.memory_space<hbm>>
        %dma_start3A_90 = tpu.memref_squeeze %dma_start3A_89 : memref<1x80x128xf32, #tpu.memory_space<hbm>> -> memref<80x128xf32, #tpu.memory_space<hbm>>
        %dma_start3A_91 = arith.constant 0 : i32
        %dma_start3A_92 = arith.constant 0 : i32
        %dma_start3A_93 = tpu.memref_slice %arg12[%dma_start3A_91, %dma_start3A_92] : memref<120x128xf32, #tpu.memory_space<vmem>> -> memref<80x128xf32, #tpu.memory_space<vmem>>
        tpu.enqueue_dma source(%dma_start3A_93 : memref<80x128xf32, #tpu.memory_space<vmem>>) target(%dma_start3A_90 : memref<80x128xf32, #tpu.memory_space<hbm>>) target_semaphore(%run_scoped3A_81 : memref<!tpu.dma_semaphore, #tpu.memory_space<semaphore_mem>>)
        %dma_wait3A_94 = arith.constant 0 : i32
        %dma_wait3A_95 = arith.constant 0 : i32
        %dma_wait3A_96 = tpu.memref_slice %arg12[%dma_wait3A_94, %dma_wait3A_95] : memref<120x128xf32, #tpu.memory_space<vmem>> -> memref<80x128xf32, #tpu.memory_space<vmem>>
        %dma_wait3A_97 = arith.constant 0 : i32
        %dma_wait3A_98 = tpu.memref_slice %arg5[%arg0, %add3A_70, %dma_wait3A_97] : memref<2x10240x128xf32, #tpu.memory_space<hbm>> -> memref<1x80x128xf32, #tpu.memory_space<hbm>>
        %dma_wait3A_99 = tpu.memref_squeeze %dma_wait3A_98 : memref<1x80x128xf32, #tpu.memory_space<hbm>> -> memref<80x128xf32, #tpu.memory_space<hbm>>
        %dma_wait3A_100 = arith.constant 0 : i32
        %dma_wait3A_101 = tpu.memref_slice %arg5[%arg0, %add3A_70, %dma_wait3A_100] : memref<2x10240x128xf32, #tpu.memory_space<hbm>> -> memref<1x80x128xf32, #tpu.memory_space<hbm>>
        %dma_wait3A_102 = tpu.memref_squeeze %dma_wait3A_101 : memref<1x80x128xf32, #tpu.memory_space<hbm>> -> memref<80x128xf32, #tpu.memory_space<hbm>>
        %dma_wait3A_103 = arith.constant 0 : i32
        %dma_wait3A_104 = arith.constant 0 : i32
        %dma_wait3A_105 = tpu.memref_slice %arg12[%dma_wait3A_103, %dma_wait3A_104] : memref<120x128xf32, #tpu.memory_space<vmem>> -> memref<80x128xf32, #tpu.memory_space<vmem>>
        tpu.wait_dma2 semaphore(%run_scoped3A_81 : memref<!tpu.dma_semaphore, #tpu.memory_space<semaphore_mem>>) src(%dma_wait3A_105 : memref<80x128xf32, #tpu.memory_space<vmem>>) dst(%dma_wait3A_102 : memref<80x128xf32, #tpu.memory_space<hbm>>)
        tpu.yield
      }) : () -> ()
      %mul3A_71 = arith.constant 640 : i32
      %mul3A_72 = arith.muli %arg1, %mul3A_71 : i32
      %add3A_73 = arith.addi %mul3A_72, %add3A_64 : i32
      %add3A_74 = arith.constant 80 : i32
      %add3A_75 = arith.addi %add3A_73, %add3A_74 : i32
      "tpu.region"() ({
        %run_scoped3A_81 = tpu.sem_alloc : memref<!tpu.dma_semaphore, #tpu.memory_space<semaphore_mem>>
        %dma_start3A_82 = arith.constant 0 : i32
        %dma_start3A_83 = arith.constant 0 : i32
        %dma_start3A_84 = tpu.memref_slice %arg13[%dma_start3A_82, %dma_start3A_83] : memref<120x128xf32, #tpu.memory_space<vmem>> -> memref<80x128xf32, #tpu.memory_space<vmem>>
        %dma_start3A_85 = arith.constant 0 : i32
        %dma_start3A_86 = tpu.memref_slice %arg15[%add3A_75, %dma_start3A_85] : memref<10240x128xf32, #tpu.memory_space<vmem_shared>> -> memref<80x128xf32, #tpu.memory_space<vmem_shared>>
        %dma_start3A_87 = arith.constant 0 : i32
        %dma_start3A_88 = arith.constant 0 : i32
        %dma_start3A_89 = tpu.memref_slice %arg13[%dma_start3A_87, %dma_start3A_88] : memref<120x128xf32, #tpu.memory_space<vmem>> -> memref<80x128xf32, #tpu.memory_space<vmem>>
        %dma_start3A_90 = arith.constant 0 : i32
        %dma_start3A_91 = tpu.memref_slice %arg15[%add3A_75, %dma_start3A_90] : memref<10240x128xf32, #tpu.memory_space<vmem_shared>> -> memref<80x128xf32, #tpu.memory_space<vmem_shared>>
        tpu.enqueue_dma source(%dma_start3A_91 : memref<80x128xf32, #tpu.memory_space<vmem_shared>>) target(%dma_start3A_89 : memref<80x128xf32, #tpu.memory_space<vmem>>) target_semaphore(%run_scoped3A_81 : memref<!tpu.dma_semaphore, #tpu.memory_space<semaphore_mem>>)
        %dma_wait3A_92 = arith.constant 0 : i32
        %dma_wait3A_93 = arith.constant 0 : i32
        %dma_wait3A_94 = tpu.memref_slice %arg13[%dma_wait3A_92, %dma_wait3A_93] : memref<120x128xf32, #tpu.memory_space<vmem>> -> memref<80x128xf32, #tpu.memory_space<vmem>>
        %dma_wait3A_95 = arith.constant 0 : i32
        %dma_wait3A_96 = tpu.memref_slice %arg15[%add3A_75, %dma_wait3A_95] : memref<10240x128xf32, #tpu.memory_space<vmem_shared>> -> memref<80x128xf32, #tpu.memory_space<vmem_shared>>
        %dma_wait3A_97 = arith.constant 0 : i32
        %dma_wait3A_98 = arith.constant 0 : i32
        %dma_wait3A_99 = tpu.memref_slice %arg13[%dma_wait3A_97, %dma_wait3A_98] : memref<120x128xf32, #tpu.memory_space<vmem>> -> memref<80x128xf32, #tpu.memory_space<vmem>>
        %dma_wait3A_100 = arith.constant 0 : i32
        %dma_wait3A_101 = tpu.memref_slice %arg15[%add3A_75, %dma_wait3A_100] : memref<10240x128xf32, #tpu.memory_space<vmem_shared>> -> memref<80x128xf32, #tpu.memory_space<vmem_shared>>
        tpu.wait_dma2 semaphore(%run_scoped3A_81 : memref<!tpu.dma_semaphore, #tpu.memory_space<semaphore_mem>>) src(%dma_wait3A_101 : memref<80x128xf32, #tpu.memory_space<vmem_shared>>) dst(%dma_wait3A_99 : memref<80x128xf32, #tpu.memory_space<vmem>>)
        tpu.yield
      }) : () -> ()
      %mul3A_76 = arith.constant 640 : i32
      %mul3A_77 = arith.muli %arg1, %mul3A_76 : i32
      %add3A_78 = arith.addi %mul3A_77, %add3A_64 : i32
      %add3A_79 = arith.constant 80 : i32
      %add3A_80 = arith.addi %add3A_78, %add3A_79 : i32
      "tpu.region"() ({
        %run_scoped3A_81 = tpu.sem_alloc : memref<!tpu.dma_semaphore, #tpu.memory_space<semaphore_mem>>
        %dma_start3A_82 = arith.constant 0 : i32
        %dma_start3A_83 = arith.constant 0 : i32
        %dma_start3A_84 = tpu.memref_slice %arg13[%dma_start3A_82, %dma_start3A_83] : memref<120x128xf32, #tpu.memory_space<vmem>> -> memref<80x128xf32, #tpu.memory_space<vmem>>
        %dma_start3A_85 = arith.constant 0 : i32
        %dma_start3A_86 = tpu.memref_slice %arg5[%arg0, %add3A_80, %dma_start3A_85] : memref<2x10240x128xf32, #tpu.memory_space<hbm>> -> memref<1x80x128xf32, #tpu.memory_space<hbm>>
        %dma_start3A_87 = tpu.memref_squeeze %dma_start3A_86 : memref<1x80x128xf32, #tpu.memory_space<hbm>> -> memref<80x128xf32, #tpu.memory_space<hbm>>
        %dma_start3A_88 = arith.constant 0 : i32
        %dma_start3A_89 = tpu.memref_slice %arg5[%arg0, %add3A_80, %dma_start3A_88] : memref<2x10240x128xf32, #tpu.memory_space<hbm>> -> memref<1x80x128xf32, #tpu.memory_space<hbm>>
        %dma_start3A_90 = tpu.memref_squeeze %dma_start3A_89 : memref<1x80x128xf32, #tpu.memory_space<hbm>> -> memref<80x128xf32, #tpu.memory_space<hbm>>
        %dma_start3A_91 = arith.constant 0 : i32
        %dma_start3A_92 = arith.constant 0 : i32
        %dma_start3A_93 = tpu.memref_slice %arg13[%dma_start3A_91, %dma_start3A_92] : memref<120x128xf32, #tpu.memory_space<vmem>> -> memref<80x128xf32, #tpu.memory_space<vmem>>
        tpu.enqueue_dma source(%dma_start3A_93 : memref<80x128xf32, #tpu.memory_space<vmem>>) target(%dma_start3A_90 : memref<80x128xf32, #tpu.memory_space<hbm>>) target_semaphore(%run_scoped3A_81 : memref<!tpu.dma_semaphore, #tpu.memory_space<semaphore_mem>>)
        %dma_wait3A_94 = arith.constant 0 : i32
        %dma_wait3A_95 = arith.constant 0 : i32
        %dma_wait3A_96 = tpu.memref_slice %arg13[%dma_wait3A_94, %dma_wait3A_95] : memref<120x128xf32, #tpu.memory_space<vmem>> -> memref<80x128xf32, #tpu.memory_space<vmem>>
        %dma_wait3A_97 = arith.constant 0 : i32
        %dma_wait3A_98 = tpu.memref_slice %arg5[%arg0, %add3A_80, %dma_wait3A_97] : memref<2x10240x128xf32, #tpu.memory_space<hbm>> -> memref<1x80x128xf32, #tpu.memory_space<hbm>>
        %dma_wait3A_99 = tpu.memref_squeeze %dma_wait3A_98 : memref<1x80x128xf32, #tpu.memory_space<hbm>> -> memref<80x128xf32, #tpu.memory_space<hbm>>
        %dma_wait3A_100 = arith.constant 0 : i32
        %dma_wait3A_101 = tpu.memref_slice %arg5[%arg0, %add3A_80, %dma_wait3A_100] : memref<2x10240x128xf32, #tpu.memory_space<hbm>> -> memref<1x80x128xf32, #tpu.memory_space<hbm>>
        %dma_wait3A_102 = tpu.memref_squeeze %dma_wait3A_101 : memref<1x80x128xf32, #tpu.memory_space<hbm>> -> memref<80x128xf32, #tpu.memory_space<hbm>>
        %dma_wait3A_103 = arith.constant 0 : i32
        %dma_wait3A_104 = arith.constant 0 : i32
        %dma_wait3A_105 = tpu.memref_slice %arg13[%dma_wait3A_103, %dma_wait3A_104] : memref<120x128xf32, #tpu.memory_space<vmem>> -> memref<80x128xf32, #tpu.memory_space<vmem>>
        tpu.wait_dma2 semaphore(%run_scoped3A_81 : memref<!tpu.dma_semaphore, #tpu.memory_space<semaphore_mem>>) src(%dma_wait3A_105 : memref<80x128xf32, #tpu.memory_space<vmem>>) dst(%dma_wait3A_102 : memref<80x128xf32, #tpu.memory_space<hbm>>)
        tpu.yield
      }) : () -> ()
    }
    %scan3A_61 = arith.constant 4 : i32
    return
  }
}

module attributes {stable_mosaic.version = 14 : i64} {
  func.func @_dense_body(%arg0: i32, %arg1: memref<1000x256xf32, #tpu.memory_space<vmem>>, %arg2: memref<256x512xf32, #tpu.memory_space<vmem>>, %arg3: memref<1000x2xf32, #tpu.memory_space<vmem>>, %arg4: memref<1000x256xf32, #tpu.memory_space<vmem>>, %arg5: memref<2x1000x128xf32, #tpu.memory_space<vmem>>) attributes {dimension_semantics = [#tpu.dimension_semantics<arbitrary>], iteration_bounds = array<i64: 10>, scalar_prefetch = 0 : i64, scratch_operands = 0 : i64, tpu.core_type = #tpu.core_type<tc>, window_params = [{transform_indices = @transform_0, window_bounds = array<i64: 1000, 256>}, {pipeline_mode = #tpu.pipeline_mode<synchronous>, transform_indices = @transform_1, window_bounds = array<i64: 256, 512>}, {transform_indices = @transform_2, window_bounds = array<i64: 1000, 2>}, {transform_indices = @transform_3, window_bounds = array<i64: 1000, 256>}, {transform_indices = @transform_4, window_bounds = array<i64: 2, 1000, 128>}]} {
    %get3A = arith.constant 0 : index
    %get3A_0 = arith.constant 0 : index
    %get3A_1 = vector.load %arg1[%get3A, %get3A_0] : memref<1000x256xf32, #tpu.memory_space<vmem>>, vector<1000x256xf32>
    %get3A_2 = arith.constant 0 : index
    %get3A_3 = arith.constant 0 : index
    %get3A_4 = vector.load %arg2[%get3A_2, %get3A_3] : memref<256x512xf32, #tpu.memory_space<vmem>>, vector<256x512xf32>
    %dot_general3A = arith.constant dense<0.000000e+00> : vector<1000x512xf32>
    %dot_general3A_5 = tpu.matmul %get3A_1, %get3A_4, %dot_general3A {dimension_numbers = #tpu.dot_dimension_numbers<[1], [0], [0], [1], [0, 0, 1, 1], [], []>, transpose_lhs_hint = false} : vector<1000x256xf32>, vector<256x512xf32>, vector<1000x512xf32> -> vector<1000x512xf32>
    %slice3A = vector.extract_strided_slice %dot_general3A_5 {offsets = [0, 256], sizes = [1000, 256], strides = [1, 1]} : vector<1000x512xf32> to vector<1000x256xf32>
    %swap3A = arith.constant 0 : index
    %swap3A_6 = arith.constant 0 : index
    %swap3A_7 = vector.load %arg4[%swap3A, %swap3A_6] : memref<1000x256xf32, #tpu.memory_space<vmem>>, vector<1000x256xf32>
    tpu.vector_store %arg4[%swap3A, %swap3A_6], %slice3A {strides = array<i32>} : memref<1000x256xf32, #tpu.memory_space<vmem>>, vector<1000x256xf32>,
    %get3A_8 = arith.constant 0 : index
    %get3A_9 = arith.constant 0 : index
    %get3A_10 = vector.load %arg3[%get3A_8, %get3A_9] : memref<1000x2xf32, #tpu.memory_space<vmem>>, vector<1000x1xf32>
    %get3A_11 = arith.constant 0 : index
    %get3A_12 = arith.constant 1 : index
    %get3A_13 = vector.load %arg3[%get3A_11, %get3A_12] : memref<1000x2xf32, #tpu.memory_space<vmem>>, vector<1000x1xf32>
    %add3A = arith.addf %get3A_10, %get3A_13 : vector<1000x1xf32>
    %gt3A = arith.constant 0.000000e+00 : f32
    %gt3A_14 = vector.broadcast %gt3A : f32 to vector<1000x1xf32>
    %gt3A_15 = arith.cmpf ogt, %add3A, %gt3A_14 : vector<1000x1xf32>
    %rsqrt3A = math.rsqrt %add3A : vector<1000x1xf32>
    %jit3A = arith.constant 0.000000e+00 : f32
    %broadcast_in_dim3A = vector.broadcast %jit3A : f32 to vector<1000x1xf32>
    %select_n3A = arith.select %gt3A_15, %rsqrt3A, %broadcast_in_dim3A : vector<1000x1xi1>, vector<1000x1xf32>
    %slice3A_16 = vector.extract_strided_slice %dot_general3A_5 {offsets = [0, 0], sizes = [1000, 256], strides = [1, 1]} : vector<1000x512xf32> to vector<1000x256xf32>
    %mul3A = vector.broadcast %select_n3A : vector<1000x1xf32> to vector<1000x256xf32>
    %mul3A_17 = arith.mulf %slice3A_16, %mul3A : vector<1000x256xf32>
    %slice3A_18 = vector.extract_strided_slice %mul3A_17 {offsets = [0, 0], sizes = [1000, 128], strides = [1, 1]} : vector<1000x256xf32> to vector<1000x128xf32>
    %swap3A_19 = arith.constant 0 : index
    %swap3A_20 = arith.constant 0 : index
    %swap3A_21 = arith.constant 0 : index
    %swap3A_22 = vector.load %arg5[%swap3A_19, %swap3A_20, %swap3A_21] : memref<2x1000x128xf32, #tpu.memory_space<vmem>>, vector<1x1000x128xf32>
    %swap3A_23 = vector.shape_cast %swap3A_22 : vector<1x1000x128xf32> to vector<1000x128xf32>
    %swap3A_24 = vector.shape_cast %slice3A_18 : vector<1000x128xf32> to vector<1x1000x128xf32>
    tpu.vector_store %arg5[%swap3A_19, %swap3A_20, %swap3A_21], %swap3A_24 {strides = array<i32>} : memref<2x1000x128xf32, #tpu.memory_space<vmem>>, vector<1x1000x128xf32>,
    %slice3A_25 = vector.extract_strided_slice %mul3A_17 {offsets = [0, 128], sizes = [1000, 128], strides = [1, 1]} : vector<1000x256xf32> to vector<1000x128xf32>
    %swap3A_26 = arith.constant 1 : index
    %swap3A_27 = arith.constant 0 : index
    %swap3A_28 = arith.constant 0 : index
    %swap3A_29 = vector.load %arg5[%swap3A_26, %swap3A_27, %swap3A_28] : memref<2x1000x128xf32, #tpu.memory_space<vmem>>, vector<1x1000x128xf32>
    %swap3A_30 = vector.shape_cast %swap3A_29 : vector<1x1000x128xf32> to vector<1000x128xf32>
    %swap3A_31 = vector.shape_cast %slice3A_25 : vector<1000x128xf32> to vector<1x1000x128xf32>
    tpu.vector_store %arg5[%swap3A_26, %swap3A_27, %swap3A_28], %swap3A_31 {strides = array<i32>} : memref<2x1000x128xf32, #tpu.memory_space<vmem>>, vector<1x1000x128xf32>,
    return
  }
  func.func @transform_0(%arg0: i32) -> (i32, i32) {
    %c0_i32 = arith.constant 0 : i32
    %c0_i32_0 = arith.constant 0 : i32
    return %arg0, %c0_i32 : i32, i32
  }
  func.func @transform_1(%arg0: i32) -> (i32, i32) {
    %c0_i32 = arith.constant 0 : i32
    %c0_i32_0 = arith.constant 0 : i32
    %c0_i32_1 = arith.constant 0 : i32
    return %c0_i32, %c0_i32_0 : i32, i32
  }
  func.func @transform_2(%arg0: i32) -> (i32, i32) {
    %c0_i32 = arith.constant 0 : i32
    %c0_i32_0 = arith.constant 0 : i32
    return %arg0, %c0_i32 : i32, i32
  }
  func.func @transform_3(%arg0: i32) -> (i32, i32) {
    %c0_i32 = arith.constant 0 : i32
    %c0_i32_0 = arith.constant 0 : i32
    return %arg0, %c0_i32 : i32, i32
  }
  func.func @transform_4(%arg0: i32) -> (i32, i32, i32) {
    %c0_i32 = arith.constant 0 : i32
    %c0_i32_0 = arith.constant 0 : i32
    %c0_i32_1 = arith.constant 0 : i32
    return %c0_i32, %arg0, %c0_i32_0 : i32, i32, i32
  }
}

module attributes {stable_mosaic.version = 14 : i64} {
  func.func @_combine_body(%arg0: i32, %arg1: memref<1000x256xf32, #tpu.memory_space<vmem>>, %arg2: memref<1000x256xf32, #tpu.memory_space<vmem>>, %arg3: memref<2x1000x128xf32, #tpu.memory_space<vmem>>, %arg4: memref<1000x2xf32, #tpu.memory_space<vmem>>, %arg5: memref<1x256xf32, #tpu.memory_space<vmem>>, %arg6: memref<1000x256xf32, #tpu.memory_space<vmem>>) attributes {dimension_semantics = [#tpu.dimension_semantics<arbitrary>], iteration_bounds = array<i64: 10>, scalar_prefetch = 0 : i64, scratch_operands = 0 : i64, tpu.core_type = #tpu.core_type<tc>, window_params = [{transform_indices = @transform_0, window_bounds = array<i64: 1000, 256>}, {transform_indices = @transform_1, window_bounds = array<i64: 1000, 256>}, {transform_indices = @transform_2, window_bounds = array<i64: 2, 1000, 128>}, {transform_indices = @transform_3, window_bounds = array<i64: 1000, 2>}, {pipeline_mode = #tpu.pipeline_mode<synchronous>, transform_indices = @transform_4, window_bounds = array<i64: 1, 256>}, {transform_indices = @transform_5, window_bounds = array<i64: 1000, 256>}]} {
    %get3A = arith.constant 0 : index
    %get3A_0 = arith.constant 0 : index
    %get3A_1 = vector.load %arg4[%get3A, %get3A_0] : memref<1000x2xf32, #tpu.memory_space<vmem>>, vector<1000x1xf32>
    %get3A_2 = arith.constant 0 : index
    %get3A_3 = arith.constant 1 : index
    %get3A_4 = vector.load %arg4[%get3A_2, %get3A_3] : memref<1000x2xf32, #tpu.memory_space<vmem>>, vector<1000x1xf32>
    %add3A = arith.addf %get3A_1, %get3A_4 : vector<1000x1xf32>
    %gt3A = arith.constant 0.000000e+00 : f32
    %gt3A_5 = vector.broadcast %gt3A : f32 to vector<1000x1xf32>
    %gt3A_6 = arith.cmpf ogt, %add3A, %gt3A_5 : vector<1000x1xf32>
    %rsqrt3A = math.rsqrt %add3A : vector<1000x1xf32>
    %jit3A = arith.constant 0.000000e+00 : f32
    %broadcast_in_dim3A = vector.broadcast %jit3A : f32 to vector<1000x1xf32>
    %select_n3A = arith.select %gt3A_6, %rsqrt3A, %broadcast_in_dim3A : vector<1000x1xi1>, vector<1000x1xf32>
    %get3A_7 = arith.constant 0 : index
    %get3A_8 = arith.constant 0 : index
    %get3A_9 = arith.constant 0 : index
    %get3A_10 = vector.load %arg3[%get3A_7, %get3A_8, %get3A_9] : memref<2x1000x128xf32, #tpu.memory_space<vmem>>, vector<1x1000x128xf32>
    %get3A_11 = vector.shape_cast %get3A_10 : vector<1x1000x128xf32> to vector<1000x128xf32>
    %get3A_12 = arith.constant 1 : index
    %get3A_13 = arith.constant 0 : index
    %get3A_14 = arith.constant 0 : index
    %get3A_15 = vector.load %arg3[%get3A_12, %get3A_13, %get3A_14] : memref<2x1000x128xf32, #tpu.memory_space<vmem>>, vector<1x1000x128xf32>
    %get3A_16 = vector.shape_cast %get3A_15 : vector<1x1000x128xf32> to vector<1000x128xf32>
    %concatenate3A = tpu.concatenate %get3A_11, %get3A_16 in 1 : vector<1000x128xf32>, vector<1000x128xf32> -> vector<1000x256xf32>
    %get3A_17 = arith.constant 0 : index
    %get3A_18 = arith.constant 0 : index
    %get3A_19 = vector.load %arg2[%get3A_17, %get3A_18] : memref<1000x256xf32, #tpu.memory_space<vmem>>, vector<1000x256xf32>
    %mul3A = vector.broadcast %select_n3A : vector<1000x1xf32> to vector<1000x256xf32>
    %mul3A_20 = arith.mulf %concatenate3A, %mul3A : vector<1000x256xf32>
    %add3A_21 = arith.addf %get3A_19, %mul3A_20 : vector<1000x256xf32>
    %get3A_22 = arith.constant 0 : index
    %get3A_23 = arith.constant 0 : index
    %get3A_24 = vector.load %arg5[%get3A_22, %get3A_23] : memref<1x256xf32, #tpu.memory_space<vmem>>, vector<1x256xf32>
    %add3A_25 = vector.broadcast %get3A_24 : vector<1x256xf32> to vector<1000x256xf32>
    %add3A_26 = arith.addf %add3A_21, %add3A_25 : vector<1000x256xf32>
    %get3A_27 = arith.constant 0 : index
    %get3A_28 = arith.constant 0 : index
    %get3A_29 = vector.load %arg1[%get3A_27, %get3A_28] : memref<1000x256xf32, #tpu.memory_space<vmem>>, vector<1000x256xf32>
    %tanh3A = math.tanh %add3A_26 : vector<1000x256xf32>
    %mul3A_30 = arith.constant 1.000000e-01 : f32
    %mul3A_31 = vector.broadcast %mul3A_30 : f32 to vector<1000x256xf32>
    %mul3A_32 = arith.mulf %mul3A_31, %tanh3A : vector<1000x256xf32>
    %add3A_33 = arith.addf %get3A_29, %mul3A_32 : vector<1000x256xf32>
    %swap3A = arith.constant 0 : index
    %swap3A_34 = arith.constant 0 : index
    %swap3A_35 = vector.load %arg6[%swap3A, %swap3A_34] : memref<1000x256xf32, #tpu.memory_space<vmem>>, vector<1000x256xf32>
    tpu.vector_store %arg6[%swap3A, %swap3A_34], %add3A_33 {strides = array<i32>} : memref<1000x256xf32, #tpu.memory_space<vmem>>, vector<1000x256xf32>,
    return
  }
  func.func @transform_0(%arg0: i32) -> (i32, i32) {
    %c0_i32 = arith.constant 0 : i32
    %c0_i32_0 = arith.constant 0 : i32
    return %arg0, %c0_i32 : i32, i32
  }
  func.func @transform_1(%arg0: i32) -> (i32, i32) {
    %c0_i32 = arith.constant 0 : i32
    %c0_i32_0 = arith.constant 0 : i32
    return %arg0, %c0_i32 : i32, i32
  }
  func.func @transform_2(%arg0: i32) -> (i32, i32, i32) {
    %c0_i32 = arith.constant 0 : i32
    %c0_i32_0 = arith.constant 0 : i32
    %c0_i32_1 = arith.constant 0 : i32
    return %c0_i32, %arg0, %c0_i32_0 : i32, i32, i32
  }
  func.func @transform_3(%arg0: i32) -> (i32, i32) {
    %c0_i32 = arith.constant 0 : i32
    %c0_i32_0 = arith.constant 0 : i32
    return %arg0, %c0_i32 : i32, i32
  }
  func.func @transform_4(%arg0: i32) -> (i32, i32) {
    %c0_i32 = arith.constant 0 : i32
    %c0_i32_0 = arith.constant 0 : i32
    %c0_i32_1 = arith.constant 0 : i32
    return %c0_i32, %c0_i32_0 : i32, i32
  }
  func.func @transform_5(%arg0: i32) -> (i32, i32) {
    %c0_i32 = arith.constant 0 : i32
    %c0_i32_0 = arith.constant 0 : i32
    return %arg0, %c0_i32 : i32, i32
  }
}

</mosaic_0001>

<sc_bundles>
// kernel: kernel.6.cloned.1.call-start
scs
__scs_entry_jumppad:
0x0: {  	(pc) =	sbr.rel $0x88, $3  }
0x1: {  	(tag) =	ssettag $0x0;
	lr =	simm.s32 $0x1  }
0x2: {  	[smem:$0x3F9C] =	sst lr;
	_ =	strace $0xD0000000  }
0x3: {  	_ = 	snop  }
0x4: {  	_ = 	snop  }
0x5: {  	_ = 	snop  }
0x6: {  	_ = 	snop  }
0x7: {  	_ = 	snop  }
__scs_overlays_trampoline_lowered:
0x8: {  	[smem:$0x3FAB] =	sst s0  }
0x9: {  	[smem:$0x3FAC] =	sst s1  }
0xa: {  	[smem:$0x3FAD] =	sst s2  }
0xb: {  	[smem:$0x3FAE] =	sst s3  }
0xc: {  	[smem:$0x3FAF] =	sst s4  }
0xd: {  	[smem:$0x3FB0] =	sst s5  }
0xe: {  	[smem:$0x3FB1] =	sst s6  }
0xf: {  	[smem:$0x3FB2] =	sst s7  }
0x10: {  	[smem:$0x3FB3] =	sst s8  }
0x11: {  	[smem:$0x3FB4] =	sst s9;
	s0 =	simm.s32 @!p0 $0x0  }
0x12: {  	s1 =	sld [smem:$0x3F9A];
	s0 =	simm.s32 @p0 $0x1  }
0x13: {  	[smem:$0x3FB5] =	sst s0;
	s0 =	simm.s32 @!p1 $0x0  }
0x14: {  	s2 =	sld [smem:$0x3F99];
	s0 =	simm.s32 @p1 $0x1  }
0x15: {  	[smem:$0x3FB6] =	sst s0;
	s0 =	simm.s32 @!p2 $0x0  }
0x16: {  	s3 =	sld [smem:$0x3FDB];
	s0 =	simm.s32 @p2 $0x1  }
0x17: {  	s4 =	simm.s32 $0x1BF5;
	[smem:$0x3FB8] =	sst s0  }
0x18: {  	s0 =	sld [smem:$0x3F9B];
	_ =	swait.ge [sflag:s4], $0x0  }
0x19: {  	s7 =	sld [smem:$0x3F9C]  }
0x1a: {  	s8 =	sadd.s32 $0xFFFFE003, lr  }
0x1b: {  	s9 =	sadd.s32 $0xFFFFFEF7, lr;
	s5 =	simm.s32 $0xFFFFFFFF;
	p2 =	slt.u32 s8, $0xFFFFF086  }
0x1c: {  	p1 =	slt.u32 s9, $0xF7A;
	s5 =	simm.s32 @!p2 $0x0  }
0x1d: {  	s5 =	simm.s32 @p1 $0x1;
	p0 =	seq.s32 s7, s2  }
0x1e: {  	s7 =	smul.u32 @!p0 $0xF7A, s2;
	p2 =	seq.s32 @!p0 s5, $0x0  }
0x1f: {  	s9 =	smul.u32 $0xF7A, s1;
	s8 =	simm.s32 @!p0 $0x1BF5;
	p2 =	por !p2, p0  }
0x20: {  	[sflag:s8] =	ssyncset.s32 @!p0 $0xFFFFF086;
	s6 =	sadd.s32 @!p0 s3, s7;
	s7 =	simm.s32 @!p0 $0x108  }
0x21: {  	s3 =	sadd.s32 s3, s9;
	s6 =	sadd.s32 @!p0 $0x88, s6;
	s7 =	simm.s32 @p2 $0x1082  }
0x22: {  	[simem:s7], [sflag:s8] =	dma.local @!p0 [hbm:s6], $0xF7A  }
0x23: {  	s9 =	sor.u32 $0xD0000000, s2;
	s6 =	simm.s32 $0x108;
	_ =	swait.ge @!p0 [sflag:s8], $0x0  }
0x24: {  	s3 =	sadd.s32 $0x88, s3;
	s6 =	simm.s32 @!p1 $0x1082;
	[sflag:s4] =	ssyncset.s32 $0xFFFFF086  }
0x25: {  	[simem:s6], [sflag:s4] =	dma.local [hbm:s3], $0xF7A  }
0x26: {  	[smem:$0x3F9C] =	sst s1;
	(tag) =	ssettag s2;
	_ =	strace s9  }
0x27: {  	s1 =	sld [smem:$0x3FAC]  }
0x28: {  	s2 =	sld [smem:$0x3FAD]  }
0x29: {  	s4 =	sld [smem:$0x3FAF]  }
0x2a: {  	p0 =	seq.s32 s5, $0x0;
	s5 =	sld [smem:$0x3FB0]  }
0x2b: {  	s6 =	sld [smem:$0x3FB1]  }
0x2c: {  	s7 =	sld [smem:$0x3FB2]  }
0x2d: {  	s3 =	simm.s32 $0x108;
	s8 =	sld [smem:$0x3FB3]  }
0x2e: {  	s3 =	simm.s32 @!p0 $0x1082;
	s9 =	sld [smem:$0x3FB4]  }
0x2f: {  	lr =	sadd.s32 s0, s3;
	s0 =	sld [smem:$0x3FAB]  }
0x30: {  	s3 =	sld [smem:$0x3FAE]  }
0x31: {  	[smem:$0x3FB7] =	sst s10  }
0x32: {  	s10 =	sld [smem:$0x3FB5];
	_ =	sdelay $0x3  }
0x33: {  	p0 =	seq.s32 s10, $0x1;
	s10 =	sld [smem:$0x3FB7];
	_ =	sdelay $0x3  }
0x34: {  	[smem:$0x3FB7] =	sst s10  }
0x35: {  	s10 =	sld [smem:$0x3FB6];
	_ =	sdelay $0x3  }
0x36: {  	p1 =	seq.s32 s10, $0x1;
	s10 =	sld [smem:$0x3FB7];
	_ =	sdelay $0x3  }
0x37: {  	[smem:$0x3FB7] =	sst s10  }
0x38: {  	s10 =	sld [smem:$0x3FB8]  }
0x39: {  	_ = 	snop;
	(pc) =	sbr.ind lr, $3  }
0x3a: {  	_ = 	snop  }
0x3b: {  	_ = 	snop  }
0x3c: {  	p2 =	seq.s32 s10, $0x1;
	s10 =	sld [smem:$0x3FB7]  }
0x3d: {  	_ =	shalt  }
0x3e: {  	_ =	shalt  }
0x3f: {  	_ =	shalt  }
0x40: {  	_ =	shalt  }
0x41: {  	_ =	shalt  }
0x42: {  	_ =	shalt  }
0x43: {  	_ =	shalt  }
0x44: {  	_ =	shalt  }
0x45: {  	_ =	shalt  }
0x46: {  	_ =	shalt  }
0x47: {  	_ =	shalt  }
0x48: {  	_ =	shalt  }
0x49: {  	_ =	shalt  }
0x4a: {  	_ =	shalt  }
0x4b: {  	_ =	shalt  }
0x4c: {  	_ =	shalt  }
0x4d: {  	_ =	shalt  }
0x4e: {  	_ =	shalt  }
0x4f: {  	_ =	shalt  }
0x50: {  	_ =	shalt  }
0x51: {  	_ =	shalt  }
0x52: {  	_ =	shalt  }
0x53: {  	_ =	shalt  }
0x54: {  	_ =	shalt  }
0x55: {  	_ =	shalt  }
0x56: {  	_ =	shalt  }
0x57: {  	_ =	shalt  }
0x58: {  	_ =	shalt  }
0x59: {  	_ =	shalt  }
0x5a: {  	_ =	shalt  }
0x5b: {  	_ =	shalt  }
0x5c: {  	_ =	shalt  }
0x5d: {  	_ =	shalt  }
0x5e: {  	_ =	shalt  }
0x5f: {  	_ =	shalt  }
0x60: {  	_ =	shalt  }
0x61: {  	_ =	shalt  }
0x62: {  	_ =	shalt  }
0x63: {  	_ =	shalt  }
0x64: {  	_ =	shalt  }
0x65: {  	_ =	shalt  }
0x66: {  	_ =	shalt  }
0x67: {  	_ =	shalt  }
0x68: {  	_ =	shalt  }
0x69: {  	_ =	shalt  }
0x6a: {  	_ =	shalt  }
0x6b: {  	_ =	shalt  }
0x6c: {  	_ =	shalt  }
0x6d: {  	_ =	shalt  }
0x6e: {  	_ =	shalt  }
0x6f: {  	_ =	shalt  }
0x70: {  	_ =	shalt  }
0x71: {  	_ =	shalt  }
0x72: {  	_ =	shalt  }
0x73: {  	_ =	shalt  }
0x74: {  	_ =	shalt  }
0x75: {  	_ =	shalt  }
0x76: {  	_ =	shalt  }
0x77: {  	_ =	shalt  }
0x78: {  	_ =	shalt  }
0x79: {  	_ =	shalt  }
0x7a: {  	_ =	shalt  }
0x7b: {  	_ =	shalt  }
0x7c: {  	_ =	shalt  }
0x7d: {  	_ =	shalt  }
0x7e: {  	_ =	shalt  }
0x7f: {  	_ =	shalt  }
0x80: {  	_ =	shalt  }
0x81: {  	_ =	shalt  }
0x82: {  	_ =	shalt  }
0x83: {  	_ =	shalt  }
0x84: {  	_ =	shalt  }
0x85: {  	_ =	shalt  }
0x86: {  	_ =	shalt  }
0x87: {  	_ =	shalt  }
.Lfunc_end0:
.L_simem_size_0:
called_computation_lowered:
.L_overlay_start_0:
0x88: {  	s2 =	sld [smem:$0x3FD9]  }
0x89: {  	s3 =	sld [smem:$0x3FFE];
	_ =	sdelay $0x1  }
0x8a: {  	s1 =	srdreg.scid  }
0x8b: {  	s0 =	sand.u32 $0x1, s1  }
0x8c: {  	s17 =	sshll.u32 s0, $0xA;
	s2 =	sadd.s32 s3, s2  }
0x8d: {  	s2 =	sadd.s32 s2, s17  }
0x8e: {  	[smem:$0x3FC3] =	sst s2  }
0x8f: {  	_ = 	snop  }
0x90: {  	s2 =	sld [smem:$0x3FD0];
	(tm) =	ssettm $0x1  }
0x91: {  	s18 =	sld [smem:$0x3FFB];
	_ =	sdelay $0x3  }
0x92: {  	_ =	strace s18  }
0x93: {  	s3 =	sld [smem:$0x3FFC];
	_ =	sdelay $0x3  }
0x94: {  	_ =	strace s3  }
0x95: {  	s3 =	sld [smem:$0x3FFD];
	_ =	sdelay $0x3  }
0x96: {  	_ =	strace s3  }
0x97: {  	_ =	strace $0x8FFFFFFF  }
0x98: {  	s19 =	sld [smem:$0x3FDB];
	_ =	sdelay $0x1  }
0x99: {  	s4 =	simm.s32 $_scs_section_size  }
0x9a: {  	s5 =	simm.s32 $_size__tile_overlayer_lowered;
	s6 =	simm.s32 $_tile_overlayer_lowered  }
0x9b: {  	s22 =	simm.s32 $0x1BFF;
	s21 =	sshll.u32 s6, $0x1;
	s3 =	sadd.s32 s4, s19  }
0x9c: {  	s7 =	simm.s32 $0x0;
	s20 =	sshll.u32 s5, $0x1;
	s5 =	sadd.s32 s21, s3  }
0x9d: {  	[timem:s7], [sflag:s22] =	dma.local [hbm:s5], s20  }
0x9e: {  	_ =	swait.ge [sflag:s22], s20  }
0x9f: {  	s4 =	ssub.s32 $0x0, s20;
	[sflag:s22] =	ssyncset.done $0x0  }
0xa0: {  	[sflag:s22] =	ssyncadd.s32 s4;
	_ =	sdelay $0x1  }
0xa1: {  	s23 =	simm.s32 $0x1B8B  }
0xa2: {  	_ =	swait.ge [sflag:s23], $0x1  }
0xa3: {  	[sflag:s23] =	ssyncset.done $0x0  }
0xa4: {  	s25 =	simm.s32 $0x1B8E;
	s24 =	sld [smem:$0x3FFE];
	[sflag:s23] =	ssyncadd.s32 $0xFFFFFFFF  }
0xa5: {  	s26 =	simm.s32 $execute0_lowered;
	[smem:$0x3FD2] =	sst s25  }
0xa6: {  	s5 =	sshll.u32 s26, $0x1;
	_ =	strace $0x80000046;
	[dreg:$0x1] =	wrdreg $0xFFFFFFFF  }
0xa7: {  	s28 =	simm.s32 $_size_execute0_lowered;
	s3 =	sadd.s32 s3, s5;
	[dreg:$0x0] =	wrdreg $0x0  }
0xa8: {  	s5 =	sshll.u32 s28, $0x1;
	[dreg:$0x2] =	wrdreg s3  }
0xa9: {  	[dreg:$0x3] =	wrdreg s5  }
0xaa: {  	[dreg:$0x4] =	wrdreg $0xC0  }
0xab: {  	_ =	task [dreg:s7], $0x5FFFF  }
0xac: {  	[dreg:$0x1] =	wrdreg $0xFFFFFFFF  }
0xad: {  	[dreg:$0x0] =	wrdreg $0x60  }
0xae: {  	[dreg:$0x2] =	wrdreg s2  }
0xaf: {  	[dreg:$0x3] =	wrdreg s24  }
0xb0: {  	[dreg:$0x4] =	wrdreg $0x1B000  }
0xb1: {  	[dreg:$0x5] =	wrdreg $0x9  }
0xb2: {  	_ =	task.clear_ibuf [dreg:s7], $0x6FFFF;
	_ =	strace $0x90000046  }
0xb3: {  	s29 =	simm.s32 $0x9;
	_ =	strace $0x80000048  }
0xb4: {  	_ =	swait.ge [sflag:s29], $0x1  }
0xb5: {  	[sflag:s29] =	ssyncadd.s32 $0xFFFFFFFF  }
0xb6: {  	_ =	strace $0x90000048  }
0xb7: {  	_ =	sfence  }
0xb8: {  	s30 =	sld [smem:$0x0];
	_ =	sdelay $0x2  }
0xb9: {  	s31 =	sshll.u32 s1, $0xD;
	s1 =	sshrl.u32 s1, $0x2  }
0xba: {  	s3 =	sand.u32 $0x4000, s31;
	s1 =	sadd.s32 s1, s30  }
0xbb: {  	s0 =	sor.u32 s3, s0;
	s1 =	sshll.u32 s1, $0x11  }
0xbc: {  	s0 =	sor.u32 s1, s0  }
0xbd: {  	s0 =	sadd.s32 $0x8F2B, s0  }
0xbe: {  	[sflag:s0] =	ssyncadd.remote.s32 $0x1  }
0xbf: {  	_ =	sfence.sel $0xFFFF  }
0xc0: {  	[dreg:$0x0] =	wrdreg $0xFFFFFFFF;
	(pc) =	sbr.abs _section_cstart, $3  }
0xc1: {  	[dreg:$0x1] =	wrdreg $0xFFFFFFFF  }
0xc2: {  	_ =	task.clear_ibuf [dreg:s7], $0x2FFFF;
	_ =	strace $0x9FFFFFFF  }
0xc3: {  	(tm) =	ssettm $0x7FFFFFFF  }
tec
execute0_lowered:
.L_overlay_start_1:
0x0: {  	(tag) =	ssettag $0x1  }
0x1: {  	s7 =	rddreg [dreg:$0x0]  }
0x2: {  	s6 =	rddreg [dreg:$0x1]  }
0x3: {  	s1 =	srdreg.scid;
	s0 =	stileid.u32  }
0x4: {  	s2 =	rddreg [dreg:$0x2];
	s9 =	smul.u32 $0x280, s0  }
0x5: {  	s3 =	simm.s32 $0x0;
	s8 =	sand.u32 $0x1, s1;
	s12 =	smul.u32 $0x1800, s0  }
0x6: {  	s14 =	simm.s32 $0x0;
	s1 =	rddreg [dreg:$0x3];
	s10 =	smul.u32 $0x2800, s8  }
0x7: {  	[smem:$0x7FF] =	sst s3;
	s4 =	sadd.s32 $0x1800, s6;
	s11 =	smul.u32 $0x18000, s8  }
0x8: {  	s5 =	sadd.s32 $0x1A00, s6;
	_ =	strace $0x80000047;
	s8 =	ssub.s32 $0x2, s8  }
0x9: {  	s13 =	sshrl.u32 s8, $0x1;
	s10 =	sadd.s32 s9, s10;
	s11 =	sadd.s32 s12, s11  }
0xa: {  	s30 =	ssub.s32 s8, s13;
	s12 =	simm.s32 $0x1800;
	s13 =	simm.s32 $0x78  }
0xb: {  	s10 =	sshrl.u32 s10, $0x3;
	s31 =	sshrl.u32 s11, $0x3;
	s11 =	simm.s32 $0x1  }
0xc: {  	s10 =	sadd.s32 s10, s6;
	s6 =	sadd.s32 s9, s2;
	s7 =	sadd.s32 s7, s31  }
0xd: {  	s9 =	smax.u32 s30, $0x1;
	s8 =	sadd.s32 $0x1C00, s10;
	s10 =	simm.s32 $0x1880  }
.LBB2_1:
0xe: {  	[tilespmem:s10], [sflag:$0x1] =	stream.linear.gather [hbm4b:s5+s3], $0x280, $0x38;
	[tilespmem:$0x1D80] =	vst v63  }
0xf: {  	_ =	swait.ge [sflag:s11], $0x280  }
0x10: {  	[sflag:s11] =	ssyncset.done $0x0  }
0x11: {  	[sflag:s11] =	ssyncadd.s32 $0xFFFFFD80  }
0x12: {  	[spmem:s6] =	stream.linear.scatter [tilespmem:s10], [sflag:$0x1], $0x280, $0x38;
	[tilespmem:$0x1D80] =	vst v63  }
0x13: {  	_ =	swait.ge [sflag:s11], $0x280  }
0x14: {  	[sflag:s11] =	ssyncset.done $0x0  }
0x15: {  	[sflag:s11] =	ssyncadd.s32 $0xFFFFFD80  }
0x16: {  	[tilespmem:s3], [sflag:$0x1] =	stream.linear.gather [hbm4b:s7+s3], $0x1500, $0x38;
	[tilespmem:$0x1D80] =	vst v63  }
0x17: {  	_ =	swait.ge [sflag:s11], $0x1500  }
0x18: {  	[sflag:s11] =	ssyncset.done $0x0  }
0x19: {  	[sflag:s11] =	ssyncadd.s32 $0xFFFFEB00  }
0x1a: {  	[tilespmem:s12], [sflag:$0x1] =	stream.linear.gather [hbm4b:s4+s3], $0x80, $0x38;
	[tilespmem:$0x1D80] =	vst v63  }
0x1b: {  	_ =	swait.ge [sflag:s11], $0x80  }
0x1c: {  	[sflag:s11] =	ssyncset.done $0x0  }
0x1d: {  	[sflag:s11] =	ssyncadd.s32 $0xFFFFFF80  }
0x1e: {  	s15 =	simm.s32 $0x0;
	[bflag:$0x0] =	sbarrier.arrive $0xFFFF  }
0x1f: {  	[spmem:s2] =	stream.indirect.scatter.add.f32 [tilespmem:s12], [sflag:$0x1], $0x1, s15, s13, $0xb8;
	[tilespmem:$0x1D80] =	vst v63  }
0x20: {  	_ =	swait.ge [sflag:s11], $0x78  }
0x21: {  	s15 =	simm.s32 $0x200;
	[sflag:s11] =	ssyncset.done $0x0  }
.LBB2_2:
0x22: {  	s16 =	sshra.s32 s15, $0x2;
	[sflag:s11] =	ssyncadd.s32 $0xFFFFFF88;
	p0 =	sne.s32 s15, $0x5200  }
0x23: {  	[spmem:s2] =	stream.indirect.scatter.add.f32 [tilespmem:s12], [sflag:$0x1], $0x1, s16, s13, $0xb8;
	[tilespmem:$0x1D80] =	vst v63  }
.Ltmp0:
0x24: {  	_ = 	snop;
	(pc) =	sbr.rel @p0 .LBB2_2-.Ltmp0, $4  }
0x25: {  	_ = 	snop  }
0x26: {  	s15 =	sadd.s32 $0x200, s15  }
0x27: {  	_ =	swait.ge [sflag:s11], $0x78  }
0x28: {  	[sflag:s11] =	ssyncset.done $0x0  }
0x29: {  	[sflag:s11] =	ssyncadd.s32 $0xFFFFFF88  }
0x2a: {  	[bflag:$0x0] =	sbarrier.arrive $0xFFFF  }
0x2b: {  	[tilespmem:s10], [sflag:$0x1] =	stream.linear.gather [spmem:s6], $0x280, $0x38;
	[tilespmem:$0x1D80] =	vst v63  }
0x2c: {  	s14 =	sadd.s32 $0x1, s14;
	_ =	swait.ge [sflag:s11], $0x280  }
0x2d: {  	p0 =	sne.s32 s14, s9;
	[sflag:s11] =	ssyncset.done $0x0  }
.Ltmp1:
0x2e: {  	[sflag:s11] =	ssyncadd.s32 $0xFFFFFD80;
	(pc) =	sbr.rel @p0 .LBB2_1-.Ltmp1, $4  }
0x2f: {  	[hbm4b:s8+s3] =	stream.linear.scatter [tilespmem:s10], [sflag:$0x1], $0x280, $0x38;
	[tilespmem:$0x1D80] =	vst v63  }
0x30: {  	_ =	swait.ge [sflag:s11], $0x280  }
0x31: {  	[sflag:s11] =	ssyncset.done $0x0  }
0x32: {  	[sflag:s11] =	ssyncadd.s32 $0xFFFFFD80  }
0x33: {  	_ =	sfence.sel $0x180000  }
0x34: {  	[bflag:$0x0] =	sbarrier.arrive $0xFFFF  }
0x35: {  	p0 =	sne.s32 s0, $0x0;
	_ =	strace $0x90000047  }
0x36: {  	s0 =	sadd.s32 @!p0 $0x100000, s1;
	[bflag:$0x2] =	sbarrier.arrive $0xFFFF  }
0x37: {  	[sflag:s0] =	ssyncadd.tile.s32 @!p0 $0x1;
	_ =	shalt  }
.Lfunc_end2:
_tile_overlayer_lowered:
.L_overlay_start_2:
0x38: {  	(tag) =	ssettag $0x2  }
0x39: {  	s0 =	rddreg [dreg:$0x0];
	s2 =	stileid.u32  }
0x3a: {  	s1 =	rddreg [dreg:$0x1];
	p0 =	sne.s32 s2, $0x0  }
0x3b: {  	s3 =	rddreg [dreg:$0x2];
	[bflag:$0x3] =	sbarrier.arrive $0xFFFF;
	s2 =	simm.s32 @!p0 $0x1C01  }
0x3c: {  	[timem:s3], [sflag:s2] =	dma.local @!p0 [hbm:s0], s1  }
0x3d: {  	s0 =	simm.s32 @!p0 $0x1  }
0x3e: {  	_ =	swait.ge @!p0 [sflag:s0], s1  }
0x3f: {  	s1 =	ssub.s32 @!p0 $0x0, s1;
	[sflag:s0] =	ssyncset.done @!p0 $0x0  }
0x40: {  	[sflag:s0] =	ssyncadd.s32 @!p0 s1  }
0x41: {  	[bflag:$0x3] =	sbarrier.arrive $0xFFFF  }
0x42: {  	_ =	shalt  }

// kernel: kernel.9.cloned.1.call-start
scs
__scs_entry_jumppad:
0x0: {  	(pc) =	sbr.rel $0x88, $3  }
0x1: {  	(tag) =	ssettag $0x0;
	lr =	simm.s32 $0x1  }
0x2: {  	[smem:$0x3F9C] =	sst lr;
	_ =	strace $0xD0000000  }
0x3: {  	_ = 	snop  }
0x4: {  	_ = 	snop  }
0x5: {  	_ = 	snop  }
0x6: {  	_ = 	snop  }
0x7: {  	_ = 	snop  }
__scs_overlays_trampoline_lowered:
0x8: {  	[smem:$0x3FAB] =	sst s0  }
0x9: {  	[smem:$0x3FAC] =	sst s1  }
0xa: {  	[smem:$0x3FAD] =	sst s2  }
0xb: {  	[smem:$0x3FAE] =	sst s3  }
0xc: {  	[smem:$0x3FAF] =	sst s4  }
0xd: {  	[smem:$0x3FB0] =	sst s5  }
0xe: {  	[smem:$0x3FB1] =	sst s6  }
0xf: {  	[smem:$0x3FB2] =	sst s7  }
0x10: {  	[smem:$0x3FB3] =	sst s8  }
0x11: {  	[smem:$0x3FB4] =	sst s9;
	s0 =	simm.s32 @!p0 $0x0  }
0x12: {  	s1 =	sld [smem:$0x3F9A];
	s0 =	simm.s32 @p0 $0x1  }
0x13: {  	[smem:$0x3FB5] =	sst s0;
	s0 =	simm.s32 @!p1 $0x0  }
0x14: {  	s2 =	sld [smem:$0x3F99];
	s0 =	simm.s32 @p1 $0x1  }
0x15: {  	[smem:$0x3FB6] =	sst s0;
	s0 =	simm.s32 @!p2 $0x0  }
0x16: {  	s3 =	sld [smem:$0x3FDB];
	s0 =	simm.s32 @p2 $0x1  }
0x17: {  	s4 =	simm.s32 $0x1BF5;
	[smem:$0x3FB8] =	sst s0  }
0x18: {  	s0 =	sld [smem:$0x3F9B];
	_ =	swait.ge [sflag:s4], $0x0  }
0x19: {  	s7 =	sld [smem:$0x3F9C]  }
0x1a: {  	s8 =	sadd.s32 $0xFFFFE003, lr  }
0x1b: {  	s9 =	sadd.s32 $0xFFFFFEF7, lr;
	s5 =	simm.s32 $0xFFFFFFFF;
	p2 =	slt.u32 s8, $0xFFFFF086  }
0x1c: {  	p1 =	slt.u32 s9, $0xF7A;
	s5 =	simm.s32 @!p2 $0x0  }
0x1d: {  	s5 =	simm.s32 @p1 $0x1;
	p0 =	seq.s32 s7, s2  }
0x1e: {  	s7 =	smul.u32 @!p0 $0xF7A, s2;
	p2 =	seq.s32 @!p0 s5, $0x0  }
0x1f: {  	s9 =	smul.u32 $0xF7A, s1;
	s8 =	simm.s32 @!p0 $0x1BF5;
	p2 =	por !p2, p0  }
0x20: {  	[sflag:s8] =	ssyncset.s32 @!p0 $0xFFFFF086;
	s6 =	sadd.s32 @!p0 s3, s7;
	s7 =	simm.s32 @!p0 $0x108  }
0x21: {  	s3 =	sadd.s32 s3, s9;
	s6 =	sadd.s32 @!p0 $0x88, s6;
	s7 =	simm.s32 @p2 $0x1082  }
0x22: {  	[simem:s7], [sflag:s8] =	dma.local @!p0 [hbm:s6], $0xF7A  }
0x23: {  	s9 =	sor.u32 $0xD0000000, s2;
	s6 =	simm.s32 $0x108;
	_ =	swait.ge @!p0 [sflag:s8], $0x0  }
0x24: {  	s3 =	sadd.s32 $0x88, s3;
	s6 =	simm.s32 @!p1 $0x1082;
	[sflag:s4] =	ssyncset.s32 $0xFFFFF086  }
0x25: {  	[simem:s6], [sflag:s4] =	dma.local [hbm:s3], $0xF7A  }
0x26: {  	[smem:$0x3F9C] =	sst s1;
	(tag) =	ssettag s2;
	_ =	strace s9  }
0x27: {  	s1 =	sld [smem:$0x3FAC]  }
0x28: {  	s2 =	sld [smem:$0x3FAD]  }
0x29: {  	s4 =	sld [smem:$0x3FAF]  }
0x2a: {  	p0 =	seq.s32 s5, $0x0;
	s5 =	sld [smem:$0x3FB0]  }
0x2b: {  	s6 =	sld [smem:$0x3FB1]  }
0x2c: {  	s7 =	sld [smem:$0x3FB2]  }
0x2d: {  	s3 =	simm.s32 $0x108;
	s8 =	sld [smem:$0x3FB3]  }
0x2e: {  	s3 =	simm.s32 @!p0 $0x1082;
	s9 =	sld [smem:$0x3FB4]  }
0x2f: {  	lr =	sadd.s32 s0, s3;
	s0 =	sld [smem:$0x3FAB]  }
0x30: {  	s3 =	sld [smem:$0x3FAE]  }
0x31: {  	[smem:$0x3FB7] =	sst s10  }
0x32: {  	s10 =	sld [smem:$0x3FB5];
	_ =	sdelay $0x3  }
0x33: {  	p0 =	seq.s32 s10, $0x1;
	s10 =	sld [smem:$0x3FB7];
	_ =	sdelay $0x3  }
0x34: {  	[smem:$0x3FB7] =	sst s10  }
0x35: {  	s10 =	sld [smem:$0x3FB6];
	_ =	sdelay $0x3  }
0x36: {  	p1 =	seq.s32 s10, $0x1;
	s10 =	sld [smem:$0x3FB7];
	_ =	sdelay $0x3  }
0x37: {  	[smem:$0x3FB7] =	sst s10  }
0x38: {  	s10 =	sld [smem:$0x3FB8]  }
0x39: {  	_ = 	snop;
	(pc) =	sbr.ind lr, $3  }
0x3a: {  	_ = 	snop  }
0x3b: {  	_ = 	snop  }
0x3c: {  	p2 =	seq.s32 s10, $0x1;
	s10 =	sld [smem:$0x3FB7]  }
0x3d: {  	_ =	shalt  }
0x3e: {  	_ =	shalt  }
0x3f: {  	_ =	shalt  }
0x40: {  	_ =	shalt  }
0x41: {  	_ =	shalt  }
0x42: {  	_ =	shalt  }
0x43: {  	_ =	shalt  }
0x44: {  	_ =	shalt  }
0x45: {  	_ =	shalt  }
0x46: {  	_ =	shalt  }
0x47: {  	_ =	shalt  }
0x48: {  	_ =	shalt  }
0x49: {  	_ =	shalt  }
0x4a: {  	_ =	shalt  }
0x4b: {  	_ =	shalt  }
0x4c: {  	_ =	shalt  }
0x4d: {  	_ =	shalt  }
0x4e: {  	_ =	shalt  }
0x4f: {  	_ =	shalt  }
0x50: {  	_ =	shalt  }
0x51: {  	_ =	shalt  }
0x52: {  	_ =	shalt  }
0x53: {  	_ =	shalt  }
0x54: {  	_ =	shalt  }
0x55: {  	_ =	shalt  }
0x56: {  	_ =	shalt  }
0x57: {  	_ =	shalt  }
0x58: {  	_ =	shalt  }
0x59: {  	_ =	shalt  }
0x5a: {  	_ =	shalt  }
0x5b: {  	_ =	shalt  }
0x5c: {  	_ =	shalt  }
0x5d: {  	_ =	shalt  }
0x5e: {  	_ =	shalt  }
0x5f: {  	_ =	shalt  }
0x60: {  	_ =	shalt  }
0x61: {  	_ =	shalt  }
0x62: {  	_ =	shalt  }
0x63: {  	_ =	shalt  }
0x64: {  	_ =	shalt  }
0x65: {  	_ =	shalt  }
0x66: {  	_ =	shalt  }
0x67: {  	_ =	shalt  }
0x68: {  	_ =	shalt  }
0x69: {  	_ =	shalt  }
0x6a: {  	_ =	shalt  }
0x6b: {  	_ =	shalt  }
0x6c: {  	_ =	shalt  }
0x6d: {  	_ =	shalt  }
0x6e: {  	_ =	shalt  }
0x6f: {  	_ =	shalt  }
0x70: {  	_ =	shalt  }
0x71: {  	_ =	shalt  }
0x72: {  	_ =	shalt  }
0x73: {  	_ =	shalt  }
0x74: {  	_ =	shalt  }
0x75: {  	_ =	shalt  }
0x76: {  	_ =	shalt  }
0x77: {  	_ =	shalt  }
0x78: {  	_ =	shalt  }
0x79: {  	_ =	shalt  }
0x7a: {  	_ =	shalt  }
0x7b: {  	_ =	shalt  }
0x7c: {  	_ =	shalt  }
0x7d: {  	_ =	shalt  }
0x7e: {  	_ =	shalt  }
0x7f: {  	_ =	shalt  }
0x80: {  	_ =	shalt  }
0x81: {  	_ =	shalt  }
0x82: {  	_ =	shalt  }
0x83: {  	_ =	shalt  }
0x84: {  	_ =	shalt  }
0x85: {  	_ =	shalt  }
0x86: {  	_ =	shalt  }
0x87: {  	_ =	shalt  }
.Lfunc_end0:
.L_simem_size_0:
called_computation.1_lowered:
.L_overlay_start_0:
0x88: {  	s2 =	sld [smem:$0x3FD9]  }
0x89: {  	s3 =	sld [smem:$0x3FFE];
	_ =	sdelay $0x1  }
0x8a: {  	s1 =	srdreg.scid  }
0x8b: {  	s0 =	sand.u32 $0x1, s1  }
0x8c: {  	s17 =	sshll.u32 s0, $0xA;
	s2 =	sadd.s32 s3, s2  }
0x8d: {  	s2 =	sadd.s32 s2, s17  }
0x8e: {  	[smem:$0x3FC3] =	sst s2  }
0x8f: {  	_ = 	snop  }
0x90: {  	s2 =	sld [smem:$0x3FD0];
	(tm) =	ssettm $0x1  }
0x91: {  	s18 =	sld [smem:$0x3FFB];
	_ =	sdelay $0x3  }
0x92: {  	_ =	strace s18  }
0x93: {  	s3 =	sld [smem:$0x3FFC];
	_ =	sdelay $0x3  }
0x94: {  	_ =	strace s3  }
0x95: {  	s3 =	sld [smem:$0x3FFD];
	_ =	sdelay $0x3  }
0x96: {  	_ =	strace s3  }
0x97: {  	_ =	strace $0x8FFFFFFF  }
0x98: {  	s19 =	sld [smem:$0x3FDB];
	_ =	sdelay $0x1  }
0x99: {  	s4 =	simm.s32 $_scs_section_size  }
0x9a: {  	s5 =	simm.s32 $_size__tile_overlayer_lowered;
	s6 =	simm.s32 $_tile_overlayer_lowered  }
0x9b: {  	s22 =	simm.s32 $0x1BFF;
	s21 =	sshll.u32 s6, $0x1;
	s3 =	sadd.s32 s4, s19  }
0x9c: {  	s7 =	simm.s32 $0x0;
	s20 =	sshll.u32 s5, $0x1;
	s5 =	sadd.s32 s21, s3  }
0x9d: {  	[timem:s7], [sflag:s22] =	dma.local [hbm:s5], s20  }
0x9e: {  	_ =	swait.ge [sflag:s22], s20  }
0x9f: {  	s4 =	ssub.s32 $0x0, s20;
	[sflag:s22] =	ssyncset.done $0x0  }
0xa0: {  	[sflag:s22] =	ssyncadd.s32 s4;
	_ =	sdelay $0x1  }
0xa1: {  	s23 =	simm.s32 $0x1B8B  }
0xa2: {  	_ =	swait.ge [sflag:s23], $0x1  }
0xa3: {  	[sflag:s23] =	ssyncset.done $0x0  }
0xa4: {  	s25 =	simm.s32 $0x1B8E;
	s24 =	sld [smem:$0x3FFE];
	[sflag:s23] =	ssyncadd.s32 $0xFFFFFFFF  }
0xa5: {  	s26 =	simm.s32 $execute0_lowered;
	[smem:$0x3FD2] =	sst s25  }
0xa6: {  	s5 =	sshll.u32 s26, $0x1;
	_ =	strace $0x80000049;
	[dreg:$0x1] =	wrdreg $0xFFFFFFFF  }
0xa7: {  	s28 =	simm.s32 $_size_execute0_lowered;
	s3 =	sadd.s32 s3, s5;
	[dreg:$0x0] =	wrdreg $0x0  }
0xa8: {  	s5 =	sshll.u32 s28, $0x1;
	[dreg:$0x2] =	wrdreg s3  }
0xa9: {  	[dreg:$0x3] =	wrdreg s5  }
0xaa: {  	[dreg:$0x4] =	wrdreg $0xC0  }
0xab: {  	_ =	task [dreg:s7], $0x5FFFF  }
0xac: {  	[dreg:$0x1] =	wrdreg $0xFFFFFFFF  }
0xad: {  	[dreg:$0x0] =	wrdreg $0x60  }
0xae: {  	[dreg:$0x2] =	wrdreg s2  }
0xaf: {  	[dreg:$0x3] =	wrdreg s24  }
0xb0: {  	[dreg:$0x4] =	wrdreg $0xBA000  }
0xb1: {  	[dreg:$0x5] =	wrdreg $0x9  }
0xb2: {  	_ =	task.clear_ibuf [dreg:s7], $0x6FFFF;
	_ =	strace $0x90000049  }
0xb3: {  	s29 =	simm.s32 $0x9;
	_ =	strace $0x8000004B  }
0xb4: {  	_ =	swait.ge [sflag:s29], $0x1  }
0xb5: {  	[sflag:s29] =	ssyncadd.s32 $0xFFFFFFFF  }
0xb6: {  	_ =	strace $0x9000004B  }
0xb7: {  	_ =	sfence  }
0xb8: {  	s30 =	sld [smem:$0x0];
	_ =	sdelay $0x2  }
0xb9: {  	s31 =	sshll.u32 s1, $0xD;
	s1 =	sshrl.u32 s1, $0x2  }
0xba: {  	s3 =	sand.u32 $0x4000, s31;
	s1 =	sadd.s32 s1, s30  }
0xbb: {  	s0 =	sor.u32 s3, s0;
	s1 =	sshll.u32 s1, $0x11  }
0xbc: {  	s0 =	sor.u32 s1, s0  }
0xbd: {  	s0 =	sadd.s32 $0x8F2B, s0  }
0xbe: {  	[sflag:s0] =	ssyncadd.remote.s32 $0x1  }
0xbf: {  	_ =	sfence.sel $0xFFFF  }
0xc0: {  	[dreg:$0x0] =	wrdreg $0xFFFFFFFF;
	(pc) =	sbr.abs _section_cstart, $3  }
0xc1: {  	[dreg:$0x1] =	wrdreg $0xFFFFFFFF  }
0xc2: {  	_ =	task.clear_ibuf [dreg:s7], $0x2FFFF;
	_ =	strace $0x9FFFFFFF  }
0xc3: {  	(tm) =	ssettm $0x7FFFFFFF  }
tec
execute0_lowered:
.L_overlay_start_1:
0x0: {  	(tag) =	ssettag $0x1  }
0x1: {  	s1 =	rddreg [dreg:$0x0]  }
0x2: {  	s0 =	rddreg [dreg:$0x1]  }
0x3: {  	s2 =	rddreg [dreg:$0x2];
	s3 =	srdreg.scid  }
0x4: {  	s4 =	simm.s32 $0x0;
	s19 =	stileid.u32;
	s28 =	simm.s32 $0x5  }
0x5: {  	s3 =	sand.u32 $0x1, s3;
	[smem:$0x7FF] =	sst s4;
	s8 =	smul.u32 $0x5400, s19  }
0x6: {  	s5 =	sadd.s32 $0x2600, s0;
	s12 =	smul.u32 $0x14000, s19;
	s13 =	sadd.s32 $0x65800, s0  }
0x7: {  	s0 =	sadd.s32 $0x1800, s0;
	s7 =	smul.u32 $0x54000, s3;
	s6 =	ssub.s32 $0x2, s3  }
0x8: {  	_ =	strace $0x8000004A;
	s11 =	smul.u32 $0x140000, s3;
	s20 =	sshrl.u32 s6, $0x1  }
0x9: {  	[dreg:$0x15] =	wrdreg s0;
	s9 =	sadd.s32 $0xA000, s12;
	s6 =	ssub.s32 s6, s20  }
0xa: {  	s3 =	sadd.s32 s8, s7;
	s7 =	sor.u32 $0x2800, s12;
	s10 =	sadd.s32 s11, s12  }
0xb: {  	s8 =	sadd.s32 $0x5000, s12;
	s17 =	sadd.s32 s11, s9;
	s14 =	sshrl.u32 s10, $0x3  }
0xc: {  	s15 =	sadd.s32 s11, s7;
	s10 =	sadd.s32 $0xF000, s12;
	s22 =	sadd.s32 s11, s8  }
0xd: {  	s24 =	sshrl.u32 s17, $0x3;
	s17 =	sadd.s32 $0xC800, s12;
	s31 =	sadd.s32 $0x700, s3  }
0xe: {  	s6 =	smax.u32 s6, $0x1;
	s14 =	sadd.s32 s13, s14;
	s21 =	sshrl.u32 s15, $0x3  }
0xf: {  	s15 =	sadd.s32 $0x7800, s12;
	s25 =	sadd.s32 s13, s24;
	[dreg:$0x18] =	wrdreg s6  }
0x10: {  	s18 =	sadd.s32 s11, s17;
	s12 =	sadd.s32 $0x11800, s12;
	[dreg:$0xd] =	wrdreg s14  }
0x11: {  	s6 =	sadd.s32 s7, s2;
	s14 =	sadd.s32 s13, s21;
	[dreg:$0x11] =	wrdreg s25  }
0x12: {  	s16 =	sadd.s32 s11, s15;
	s21 =	sadd.s32 $0x500, s3;
	[dreg:$0x19] =	wrdreg s6  }
0x13: {  	s18 =	sshrl.u32 s18, $0x3;
	s25 =	sadd.s32 s11, s10;
	[dreg:$0xe] =	wrdreg s14  }
0x14: {  	s14 =	sshrl.u32 s22, $0x3;
	s23 =	sshrl.u32 s16, $0x3;
	s18 =	sadd.s32 s13, s18  }
0x15: {  	s16 =	sshrl.u32 s31, $0x3;
	s31 =	simm.s32 $0x80;
	[dreg:$0x12] =	wrdreg s18  }
0x16: {  	s22 =	sshrl.u32 s21, $0x3;
	s21 =	sadd.s32 s15, s2;
	[dreg:$0x9] =	wrdreg s31  }
0x17: {  	s11 =	sadd.s32 s11, s12;
	s14 =	sadd.s32 s13, s14;
	[dreg:$0x1d] =	wrdreg s21  }
0x18: {  	s11 =	sshrl.u32 s11, $0x3;
	s20 =	sadd.s32 s16, s5;
	[dreg:$0xf] =	wrdreg s14  }
0x19: {  	s29 =	simm.s32 $0xC;
	s11 =	sadd.s32 s13, s11;
	[dreg:$0x5] =	wrdreg s20  }
0x1a: {  	s26 =	sadd.s32 $0x800, s3;
	s18 =	simm.s32 $0x380;
	[dreg:$0x14] =	wrdreg s11  }
0x1b: {  	s14 =	sadd.s32 s13, s23;
	s23 =	sadd.s32 $0x400, s3;
	[dreg:$0xc] =	wrdreg s18  }
0x1c: {  	s18 =	sadd.s32 s8, s2;
	[dreg:$0x10] =	wrdreg s14;
	s14 =	sshrl.u32 s26, $0x3  }
0x1d: {  	s16 =	sshrl.u32 s23, $0x3;
	s23 =	sadd.s32 s12, s2;
	[dreg:$0x1a] =	wrdreg s18  }
0x1e: {  	s30 =	simm.s32 $0x6;
	s14 =	sadd.s32 s14, s5;
	[dreg:$0x1f] =	wrdreg s23  }
0x1f: {  	s7 =	simm.s32 $0x300;
	s24 =	sadd.s32 s16, s5;
	[dreg:$0x4] =	wrdreg s14  }
0x20: {  	s16 =	sshrl.u32 s25, $0x3;
	s14 =	sadd.s32 s22, s5;
	[dreg:$0x7] =	wrdreg s24  }
0x21: {  	s15 =	simm.s32 $0xD;
	s16 =	sadd.s32 s13, s16;
	[dreg:$0x6] =	wrdreg s14  }
0x22: {  	s21 =	simm.s32 $0x0;
	s13 =	simm.s32 $0x180;
	[dreg:$0x13] =	wrdreg s16  }
0x23: {  	s26 =	sor.u32 $0x300, s3;
	s22 =	sadd.s32 s17, s2;
	[dreg:$0xa] =	wrdreg s13  }
0x24: {  	s14 =	sshrl.u32 s26, $0x3;
	s16 =	simm.s32 $0x280;
	[dreg:$0x1e] =	wrdreg s22  }
0x25: {  	s8 =	simm.s32 $0x400;
	s14 =	sadd.s32 s14, s5;
	[dreg:$0xb] =	wrdreg s16  }
0x26: {  	s11 =	simm.s32 $0x78;
	s12 =	simm.s32 $0x3;
	[dreg:$0x8] =	wrdreg s14  }
0x27: {  	s14 =	smul.u32 $0x50000, s19;
	s19 =	sshrl.u32 s3, $0x3;
	s3 =	sadd.s32 $0x600, s3  }
0x28: {  	s23 =	simm.s32 $0x4;
	s0 =	sadd.s32 s5, s19;
	[smem:$0x7F8] =	sst s3  }
0x29: {  	s17 =	simm.s32 $0x8;
	s19 =	sadd.s32 s9, s2;
	[dreg:$0x16] =	wrdreg s0  }
0x2a: {  	s13 =	simm.s32 $0x7E00;
	s24 =	sadd.s32 $0x20, s0;
	[dreg:$0x1b] =	wrdreg s19  }
0x2b: {  	s20 =	sshrl.u32 s14, $0x2;
	s0 =	sadd.s32 $0x40, s0;
	[smem:$0x7F9] =	sst s24  }
0x2c: {  	s22 =	simm.s32 $0x4200;
	s16 =	sadd.s32 s20, s2;
	[smem:$0x7FA] =	sst s0  }
0x2d: {  	s9 =	simm.s32 $0x500;
	s20 =	sadd.s32 s10, s2;
	[dreg:$0x17] =	wrdreg s16  }
0x2e: {  	s14 =	simm.s32 $0xA;
	s25 =	sadd.s32 $0x7800, s16;
	[dreg:$0x1c] =	wrdreg s20  }
0x2f: {  	s0 =	simm.s32 $0x600;
	s26 =	sadd.s32 $0xC800, s16;
	[smem:$0x7FB] =	sst s25  }
0x30: {  	s10 =	simm.s32 $0x7;
	s31 =	sadd.s32 $0x11800, s16;
	[smem:$0x7FC] =	sst s26  }
0x31: {  	s24 =	simm.s32 $0xB;
	[smem:$0x7FD] =	sst s31;
	s26 =	simm.s32 $0x9  }
.LBB2_1:
0x32: {  	[smem:$0x7F7] =	sst s21  }
0x33: {  	s3 =	rddreg [dreg:$0x15]  }
0x34: {  	[tilespmem:s0], [sflag:$0xD] =	stream.linear.gather [hbm4b:s3+s4], $0x2800, $0x38;
	[tilespmem:$0x1FA00] =	vst v63  }
0x35: {  	_ =	swait.ge [sflag:s15], $0x2800  }
0x36: {  	[sflag:s15] =	ssyncset.done $0x0  }
0x37: {  	[sflag:s15] =	ssyncadd.s32 $0xFFFFD800  }
0x38: {  	[spmem:s16] =	stream.linear.scatter [tilespmem:s0], [sflag:$0xD], $0x2800, $0x38;
	[tilespmem:$0x1FA00] =	vst v63  }
0x39: {  	_ =	swait.ge [sflag:s15], $0x2800  }
0x3a: {  	[sflag:s15] =	ssyncset.done $0x0  }
0x3b: {  	[sflag:s15] =	ssyncadd.s32 $0xFFFFD800  }
0x3c: {  	[spmem:s6] =	stream.linear.scatter [tilespmem:s0], [sflag:$0xD], $0x2800, $0x38;
	[tilespmem:$0x1FA00] =	vst v63  }
0x3d: {  	_ =	swait.ge [sflag:s15], $0x2800  }
0x3e: {  	[sflag:s15] =	ssyncset.done $0x0  }
0x3f: {  	[sflag:s15] =	ssyncadd.s32 $0xFFFFD800  }
0x40: {  	[spmem:s18] =	stream.linear.scatter [tilespmem:s0], [sflag:$0xD], $0x2800, $0x38;
	[tilespmem:$0x1FA00] =	vst v63  }
0x41: {  	_ =	swait.ge [sflag:s15], $0x2800  }
0x42: {  	s25 =	sld [smem:$0x7FB]  }
0x43: {  	[sflag:s15] =	ssyncset.done $0x0  }
0x44: {  	[sflag:s15] =	ssyncadd.s32 $0xFFFFD800  }
0x45: {  	[spmem:s25] =	stream.linear.scatter [tilespmem:s0], [sflag:$0xD], $0x2800, $0x38;
	[tilespmem:$0x1FA00] =	vst v63  }
0x46: {  	_ =	swait.ge [sflag:s15], $0x2800  }
0x47: {  	[sflag:s15] =	ssyncset.done $0x0  }
0x48: {  	[sflag:s15] =	ssyncadd.s32 $0xFFFFD800  }
0x49: {  	[spmem:s19] =	stream.linear.scatter [tilespmem:s0], [sflag:$0xD], $0x2800, $0x38;
	[tilespmem:$0x1FA00] =	vst v63  }
0x4a: {  	_ =	swait.ge [sflag:s15], $0x2800  }
0x4b: {  	s31 =	sld [smem:$0x7FC]  }
0x4c: {  	[sflag:s15] =	ssyncset.done $0x0  }
0x4d: {  	[sflag:s15] =	ssyncadd.s32 $0xFFFFD800  }
0x4e: {  	[spmem:s31] =	stream.linear.scatter [tilespmem:s0], [sflag:$0xD], $0x2800, $0x38;
	[tilespmem:$0x1FA00] =	vst v63  }
0x4f: {  	_ =	swait.ge [sflag:s15], $0x2800  }
0x50: {  	[sflag:s15] =	ssyncset.done $0x0  }
0x51: {  	[sflag:s15] =	ssyncadd.s32 $0xFFFFD800  }
0x52: {  	[spmem:s20] =	stream.linear.scatter [tilespmem:s0], [sflag:$0xD], $0x2800, $0x38;
	[tilespmem:$0x1FA00] =	vst v63  }
0x53: {  	_ =	swait.ge [sflag:s15], $0x2800  }
0x54: {  	s6 =	sld [smem:$0x7FD]  }
0x55: {  	[sflag:s15] =	ssyncset.done $0x0  }
0x56: {  	[sflag:s15] =	ssyncadd.s32 $0xFFFFD800  }
0x57: {  	[spmem:s6] =	stream.linear.scatter [tilespmem:s0], [sflag:$0xD], $0x2800, $0x38;
	[tilespmem:$0x1FA00] =	vst v63  }
0x58: {  	_ =	swait.ge [sflag:s15], $0x2800  }
0x59: {  	[sflag:s15] =	ssyncset.done $0x0  }
0x5a: {  	[sflag:s15] =	ssyncadd.s32 $0xFFFFD800  }
0x5b: {  	[bflag:$0x0] =	sbarrier.arrive $0xFFFF  }
0x5c: {  	s16 =	rddreg [dreg:$0x16]  }
0x5d: {  	s18 =	sld [smem:$0x7F9]  }
0x5e: {  	[tilespmem:s4], [sflag:$0x1] =	stream.linear.gather [hbm4b:s16+s4], $0x100, $0x38;
	[tilespmem:$0x1FA00] =	vst v63  }
0x5f: {  	p0 =	por $0x1, $0x1;
	s19 =	simm.s32 $0x100;
	s20 =	sld [smem:$0x7FA]  }
0x60: {  	[tilespmem:s19], [sflag:$0x2] =	stream.linear.gather [hbm4b:s18+s4], $0x100, $0x38;
	[tilespmem:$0x1FA00] =	vst v63  }
0x61: {  	s6 =	simm.s32 $0x200;
	s15 =	simm.s32 @!p0 $0xA  }
0x62: {  	[tilespmem:s6], [sflag:$0x3] =	stream.linear.gather [hbm4b:s20+s4], $0x100, $0x38;
	[tilespmem:$0x1FA00] =	vst v63  }
0x63: {  	_ =	swait.ge @!p0 [sflag:s15], $0x3C00  }
0x64: {  	s21 =	rddreg [dreg:$0x8];
	[sflag:s15] =	ssyncset.done @!p0 $0x0  }
0x65: {  	s18 =	simm.s32 @p0 $0x1;
	[sflag:s15] =	ssyncadd.s32 @!p0 $0xFFFFC400;
	s25 =	sadd.s32 $0x0, s21  }
0x66: {  	[tilespmem:s7], [sflag:$0x4] =	stream.linear.gather [hbm4b:s25+s4], $0x100, $0x38;
	[tilespmem:$0x1FA00] =	vst v63  }
0x67: {  	_ =	swait.ge @p0 [sflag:s18], $0x100  }
0x68: {  	s19 =	simm.s32 @!p0 $0x8;
	s20 =	simm.s32 @p0 $0x0;
	[sflag:s18] =	ssyncset.done @p0 $0x0  }
0x69: {  	s15 =	simm.s32 @p0 $0x600;
	[sflag:s18] =	ssyncadd.s32 @p0 $0xFFFFFF00;
	s18 =	simm.s32 @p0 $0x78  }
0x6a: {  	[tilespmem:s15], [sflag:$0x7] =	stream.indirect.gather @p0 [hbm4b:s1+s18], $0x80, s20, s18, $0xb8;
	[tilespmem:$0x1FA00] =	vst v63  }
0x6b: {  	_ =	swait.ge @!p0 [sflag:s19], $0x3C00  }
0x6c: {  	s21 =	simm.s32 @!p0 $0x480;
	s15 =	simm.s32 @!p0 $0x4200;
	[sflag:s19] =	ssyncset.done @!p0 $0x0  }
0x6d: {  	s20 =	simm.s32 @!p0 $0x1;
	[sflag:s19] =	ssyncadd.s32 @!p0 $0xFFFFC400;
	s19 =	simm.s32 @!p0 $0x78  }
0x6e: {  	[spmem:s2] =	stream.indirect.scatter.add.f32 @!p0 [tilespmem:s15], [sflag:$0xB], $0x80, s21, s19, $0xb8;
	[tilespmem:$0x1FA00] =	vst v63  }
0x6f: {  	_ =	swait.ge @!p0 [sflag:s20], $0x100  }
0x70: {  	[sflag:s20] =	ssyncset.done @!p0 $0x0  }
0x71: {  	s21 =	simm.s32 @!p0 $0x600;
	[sflag:s20] =	ssyncadd.s32 @!p0 $0xFFFFFF00;
	s20 =	simm.s32 @!p0 $0x0  }
0x72: {  	[tilespmem:s21], [sflag:$0x7] =	stream.indirect.gather @!p0 [hbm4b:s1+s19], $0x80, s20, s19, $0xb8;
	[tilespmem:$0x1FA00] =	vst v63  }
0x73: {  	s20 =	simm.s32 @!p0 $0xB  }
0x74: {  	_ =	swait.ge @!p0 [sflag:s20], $0x3C00  }
0x75: {  	s31 =	rddreg [dreg:$0x7];
	[sflag:s20] =	ssyncset.done @!p0 $0x0  }
0x76: {  	s21 =	simm.s32 @p0 $0x2;
	[sflag:s20] =	ssyncadd.s32 @!p0 $0xFFFFC400;
	s3 =	sadd.s32 $0x0, s31  }
0x77: {  	[tilespmem:s8], [sflag:$0x5] =	stream.linear.gather [hbm4b:s3+s4], $0x100, $0x38;
	[tilespmem:$0x1FA00] =	vst v63  }
0x78: {  	_ =	swait.ge @p0 [sflag:s21], $0x100  }
0x79: {  	[sflag:s21] =	ssyncset.done @p0 $0x0  }
0x7a: {  	s20 =	simm.s32 @p0 $0x100;
	[sflag:s21] =	ssyncadd.s32 @p0 $0xFFFFFF00;
	s21 =	simm.s32 @p0 $0x4200  }
0x7b: {  	[tilespmem:s21], [sflag:$0x8] =	stream.indirect.gather @p0 [hbm4b:s1+s18], $0x80, s20, s18, $0xb8;
	[tilespmem:$0x1FA00] =	vst v63  }
0x7c: {  	s18 =	simm.s32 @!p0 $0x9  }
0x7d: {  	_ =	swait.ge @!p0 [sflag:s18], $0x3C00  }
0x7e: {  	[sflag:s18] =	ssyncset.done @!p0 $0x0  }
0x7f: {  	s20 =	simm.s32 @!p0 $0x7E00;
	[sflag:s18] =	ssyncadd.s32 @!p0 $0xFFFFC400;
	s18 =	simm.s32 @!p0 $0x580  }
0x80: {  	[spmem:s2] =	stream.indirect.scatter.add.f32 @!p0 [tilespmem:s20], [sflag:$0xC], $0x80, s18, s19, $0xb8;
	[tilespmem:$0x1FA00] =	vst v63  }
0x81: {  	s18 =	simm.s32 @!p0 $0x2  }
0x82: {  	_ =	swait.ge @!p0 [sflag:s18], $0x100  }
0x83: {  	[sflag:s18] =	ssyncset.done @!p0 $0x0  }
0x84: {  	[sflag:s18] =	ssyncadd.s32 @!p0 $0xFFFFFF00;
	s18 =	simm.s32 @!p0 $0x100  }
0x85: {  	[tilespmem:s15], [sflag:$0x8] =	stream.indirect.gather @!p0 [hbm4b:s1+s19], $0x80, s18, s19, $0xb8;
	[tilespmem:$0x1FA00] =	vst v63  }
0x86: {  	s15 =	simm.s32 @!p0 $0xC  }
0x87: {  	_ =	swait.ge @!p0 [sflag:s15], $0x3C00  }
0x88: {  	s16 =	rddreg [dreg:$0x6];
	[sflag:s15] =	ssyncset.done @!p0 $0x0  }
0x89: {  	[sflag:s15] =	ssyncadd.s32 @!p0 $0xFFFFC400;
	s19 =	sadd.s32 $0x0, s16  }
0x8a: {  	[tilespmem:s9], [sflag:$0x6] =	stream.linear.gather [hbm4b:s19+s4], $0x100, $0x38;
	[tilespmem:$0x1FA00] =	vst v63  }
0x8b: {  	_ =	swait.ge [sflag:s10], $0x3C00  }
0x8c: {  	[sflag:s10] =	ssyncset.done $0x0  }
0x8d: {  	s20 =	rddreg [dreg:$0x9];
	[sflag:s10] =	ssyncadd.s32 $0xFFFFC400  }
0x8e: {  	[spmem:s2] =	stream.indirect.scatter.add.f32 [tilespmem:s0], [sflag:$0xA], $0x80, s20, s11, $0xb8;
	[tilespmem:$0x1FA00] =	vst v63  }
0x8f: {  	_ =	swait.ge [sflag:s12], $0x100  }
0x90: {  	[sflag:s12] =	ssyncset.done $0x0  }
0x91: {  	[sflag:s12] =	ssyncadd.s32 $0xFFFFFF00  }
0x92: {  	[tilespmem:s13], [sflag:$0x9] =	stream.indirect.gather [hbm4b:s1+s11], $0x80, s6, s11, $0xb8;
	[tilespmem:$0x1FA00] =	vst v63  }
0x93: {  	_ =	swait.ge [sflag:s14], $0x3C00  }
0x94: {  	s3 =	sld [smem:$0x7F8];
	_ =	sdelay $0x1  }
0x95: {  	p0 =	por $0x0, $0x0  }
0x96: {  	[sflag:s14] =	ssyncset.done $0x0;
	s15 =	sshrl.u32 @!p0 s3, $0x3  }
0x97: {  	s18 =	simm.s32 @!p0 $0x0;
	[sflag:s14] =	ssyncadd.s32 $0xFFFFC400;
	s15 =	sadd.s32 @!p0 s5, s15  }
0x98: {  	[tilespmem:s18], [sflag:$0x1] =	stream.linear.gather @!p0 [hbm4b:s15+s18], $0x100, $0x38;
	[tilespmem:$0x1FA00] =	vst v63  }
0x99: {  	_ =	swait.ge [sflag:s17], $0x3C00  }
0x9a: {  	[sflag:s17] =	ssyncset.done $0x0  }
0x9b: {  	s21 =	rddreg [dreg:$0xa];
	[sflag:s17] =	ssyncadd.s32 $0xFFFFC400  }
0x9c: {  	[spmem:s2] =	stream.indirect.scatter.add.f32 [tilespmem:s22], [sflag:$0xB], $0x80, s21, s11, $0xb8;
	[tilespmem:$0x1FA00] =	vst v63  }
0x9d: {  	_ =	swait.ge [sflag:s23], $0x100  }
0x9e: {  	[sflag:s23] =	ssyncset.done $0x0  }
0x9f: {  	[sflag:s23] =	ssyncadd.s32 $0xFFFFFF00  }
0xa0: {  	[tilespmem:s0], [sflag:$0x7] =	stream.indirect.gather [hbm4b:s1+s11], $0x80, s7, s11, $0xb8;
	[tilespmem:$0x1FA00] =	vst v63  }
0xa1: {  	_ =	swait.ge [sflag:s24], $0x3C00  }
0xa2: {  	s15 =	rddreg [dreg:$0x5];
	[sflag:s24] =	ssyncset.done $0x0  }
0xa3: {  	s19 =	simm.s32 @!p0 $0x100;
	[sflag:s24] =	ssyncadd.s32 $0xFFFFC400;
	s15 =	sadd.s32 @!p0 $0x0, s15  }
0xa4: {  	[tilespmem:s19], [sflag:$0x2] =	stream.linear.gather @!p0 [hbm4b:s15+s18], $0x100, $0x38;
	[tilespmem:$0x1FA00] =	vst v63  }
0xa5: {  	_ =	swait.ge [sflag:s26], $0x3C00  }
0xa6: {  	[sflag:s26] =	ssyncset.done $0x0  }
0xa7: {  	s25 =	rddreg [dreg:$0xb];
	[sflag:s26] =	ssyncadd.s32 $0xFFFFC400  }
0xa8: {  	[spmem:s2] =	stream.indirect.scatter.add.f32 [tilespmem:s13], [sflag:$0xC], $0x80, s25, s11, $0xb8;
	[tilespmem:$0x1FA00] =	vst v63  }
0xa9: {  	_ =	swait.ge [sflag:s28], $0x100  }
0xaa: {  	[sflag:s28] =	ssyncset.done $0x0  }
0xab: {  	[sflag:s28] =	ssyncadd.s32 $0xFFFFFF00  }
0xac: {  	[tilespmem:s22], [sflag:$0x8] =	stream.indirect.gather [hbm4b:s1+s11], $0x80, s8, s11, $0xb8;
	[tilespmem:$0x1FA00] =	vst v63  }
0xad: {  	_ =	swait.ge [sflag:s29], $0x3C00  }
0xae: {  	s15 =	rddreg [dreg:$0x4];
	[sflag:s29] =	ssyncset.done $0x0  }
0xaf: {  	s19 =	simm.s32 @!p0 $0x200;
	[sflag:s29] =	ssyncadd.s32 $0xFFFFC400;
	s15 =	sadd.s32 @!p0 $0x0, s15  }
0xb0: {  	[tilespmem:s19], [sflag:$0x3] =	stream.linear.gather @!p0 [hbm4b:s15+s18], $0x100, $0x38;
	[tilespmem:$0x1FA00] =	vst v63  }
0xb1: {  	_ =	swait.ge [sflag:s10], $0x3C00  }
0xb2: {  	[sflag:s10] =	ssyncset.done $0x0  }
0xb3: {  	s31 =	rddreg [dreg:$0xc];
	[sflag:s10] =	ssyncadd.s32 $0xFFFFC400  }
0xb4: {  	[spmem:s2] =	stream.indirect.scatter.add.f32 [tilespmem:s0], [sflag:$0xA], $0x80, s31, s11, $0xb8;
	[tilespmem:$0x1FA00] =	vst v63  }
0xb5: {  	p1 =	por $0x0, $0x0;
	s15 =	simm.s32 $0xC0;
	_ =	swait.ge [sflag:s30], $0x100  }
0xb6: {  	s19 =	simm.s32 $0x180;
	s18 =	sadd.s32 $0x600, s3;
	[sflag:s30] =	ssyncset.done $0x0  }
.LBB2_2:
0xb7: {  	s21 =	simm.s32 @!p1 $0xA;
	[sflag:s30] =	ssyncadd.s32 $0xFFFFFF00  }
0xb8: {  	[tilespmem:s13], [sflag:$0x9] =	stream.indirect.gather [hbm4b:s1+s11], $0x80, s9, s11, $0xb8;
	[tilespmem:$0x1FA00] =	vst v63  }
0xb9: {  	_ =	swait.ge @!p1 [sflag:s21], $0x3C00  }
0xba: {  	[sflag:s21] =	ssyncset.done @!p1 $0x0;
	s25 =	rddreg [dreg:$0x8]  }
0xbb: {  	[sflag:s21] =	ssyncadd.s32 @!p1 $0xFFFFC400;
	s16 =	sadd.s32 s15, s25;
	s25 =	simm.s32 @p1 $0x1  }
0xbc: {  	[tilespmem:s7], [sflag:$0x4] =	stream.linear.gather [hbm4b:s16+s4], $0x100, $0x38;
	[tilespmem:$0x1FA00] =	vst v63  }
0xbd: {  	_ =	swait.ge @p1 [sflag:s25], $0x100  }
0xbe: {  	s31 =	simm.s32 @p1 $0x0;
	s21 =	simm.s32 @p1 $0x600;
	[sflag:s25] =	ssyncset.done @p1 $0x0  }
0xbf: {  	s16 =	simm.s32 @!p1 $0x8;
	[sflag:s25] =	ssyncadd.s32 @p1 $0xFFFFFF00;
	s25 =	simm.s32 @p1 $0x78  }
0xc0: {  	[tilespmem:s21], [sflag:$0x7] =	stream.indirect.gather @p1 [hbm4b:s1+s25], $0x80, s31, s25, $0xb8;
	[tilespmem:$0x1FA00] =	vst v63  }
0xc1: {  	_ =	swait.ge @!p1 [sflag:s16], $0x3C00  }
0xc2: {  	s3 =	simm.s32 @!p1 $0x480;
	s21 =	simm.s32 @!p1 $0x4200;
	[sflag:s16] =	ssyncset.done @!p1 $0x0  }
0xc3: {  	s31 =	simm.s32 @!p1 $0x1;
	[sflag:s16] =	ssyncadd.s32 @!p1 $0xFFFFC400;
	s16 =	simm.s32 @!p1 $0x78  }
0xc4: {  	[spmem:s2] =	stream.indirect.scatter.add.f32 @!p1 [tilespmem:s21], [sflag:$0xB], $0x80, s3, s16, $0xb8;
	[tilespmem:$0x1FA00] =	vst v63  }
0xc5: {  	_ =	swait.ge @!p1 [sflag:s31], $0x100  }
0xc6: {  	s6 =	simm.s32 @!p1 $0x600;
	[sflag:s31] =	ssyncset.done @!p1 $0x0  }
0xc7: {  	s3 =	simm.s32 @!p1 $0xB;
	[sflag:s31] =	ssyncadd.s32 @!p1 $0xFFFFFF00;
	s31 =	simm.s32 @!p1 $0x0  }
0xc8: {  	[tilespmem:s6], [sflag:$0x7] =	stream.indirect.gather @!p1 [hbm4b:s1+s16], $0x80, s31, s16, $0xb8;
	[tilespmem:$0x1FA00] =	vst v63  }
0xc9: {  	_ =	swait.ge @!p1 [sflag:s3], $0x3C00  }
0xca: {  	[sflag:s3] =	ssyncset.done @!p1 $0x0;
	s31 =	rddreg [dreg:$0x7]  }
0xcb: {  	s6 =	simm.s32 @p1 $0x2;
	[sflag:s3] =	ssyncadd.s32 @!p1 $0xFFFFC400;
	s31 =	sadd.s32 s15, s31  }
0xcc: {  	[tilespmem:s8], [sflag:$0x5] =	stream.linear.gather [hbm4b:s31+s4], $0x100, $0x38;
	[tilespmem:$0x1FA00] =	vst v63  }
0xcd: {  	_ =	swait.ge @p1 [sflag:s6], $0x100  }
0xce: {  	s3 =	simm.s32 @!p1 $0x9;
	[sflag:s6] =	ssyncset.done @p1 $0x0  }
0xcf: {  	s31 =	simm.s32 @p1 $0x4200;
	[sflag:s6] =	ssyncadd.s32 @p1 $0xFFFFFF00;
	s6 =	simm.s32 @p1 $0x100  }
0xd0: {  	[tilespmem:s31], [sflag:$0x8] =	stream.indirect.gather @p1 [hbm4b:s1+s25], $0x80, s6, s25, $0xb8;
	[tilespmem:$0x1FA00] =	vst v63  }
0xd1: {  	_ =	swait.ge @!p1 [sflag:s3], $0x3C00  }
0xd2: {  	s6 =	simm.s32 @!p1 $0x2;
	[sflag:s3] =	ssyncset.done @!p1 $0x0  }
0xd3: {  	s25 =	simm.s32 @!p1 $0x7E00;
	[sflag:s3] =	ssyncadd.s32 @!p1 $0xFFFFC400;
	s3 =	simm.s32 @!p1 $0x580  }
0xd4: {  	[spmem:s2] =	stream.indirect.scatter.add.f32 @!p1 [tilespmem:s25], [sflag:$0xC], $0x80, s3, s16, $0xb8;
	[tilespmem:$0x1FA00] =	vst v63  }
0xd5: {  	_ =	swait.ge @!p1 [sflag:s6], $0x100  }
0xd6: {  	[sflag:s6] =	ssyncset.done @!p1 $0x0  }
0xd7: {  	s3 =	simm.s32 @!p1 $0x100;
	[sflag:s6] =	ssyncadd.s32 @!p1 $0xFFFFFF00;
	s6 =	simm.s32 @!p1 $0xC  }
0xd8: {  	[tilespmem:s21], [sflag:$0x8] =	stream.indirect.gather @!p1 [hbm4b:s1+s16], $0x80, s3, s16, $0xb8;
	[tilespmem:$0x1FA00] =	vst v63  }
0xd9: {  	_ =	swait.ge @!p1 [sflag:s6], $0x3C00  }
0xda: {  	[sflag:s6] =	ssyncset.done @!p1 $0x0;
	s25 =	rddreg [dreg:$0x6]  }
0xdb: {  	[sflag:s6] =	ssyncadd.s32 @!p1 $0xFFFFC400;
	s3 =	sadd.s32 s15, s25  }
0xdc: {  	[tilespmem:s9], [sflag:$0x6] =	stream.linear.gather [hbm4b:s3+s4], $0x100, $0x38;
	[tilespmem:$0x1FA00] =	vst v63  }
0xdd: {  	_ =	swait.ge [sflag:s10], $0x3C00  }
0xde: {  	[sflag:s10] =	ssyncset.done $0x0  }
0xdf: {  	s31 =	rddreg [dreg:$0x9];
	[sflag:s10] =	ssyncadd.s32 $0xFFFFC400  }
0xe0: {  	[spmem:s2] =	stream.indirect.scatter.add.f32 [tilespmem:s0], [sflag:$0xA], $0x80, s31, s11, $0xb8;
	[tilespmem:$0x1FA00] =	vst v63  }
0xe1: {  	_ =	swait.ge [sflag:s12], $0x100  }
0xe2: {  	[sflag:s12] =	ssyncset.done $0x0  }
0xe3: {  	s6 =	simm.s32 $0x200;
	[sflag:s12] =	ssyncadd.s32 $0xFFFFFF00  }
0xe4: {  	[tilespmem:s13], [sflag:$0x9] =	stream.indirect.gather [hbm4b:s1+s11], $0x80, s6, s11, $0xb8;
	[tilespmem:$0x1FA00] =	vst v63  }
0xe5: {  	p1 =	seq.s32 s15, $0x9C0;
	_ =	swait.ge [sflag:s14], $0x3C00  }
0xe6: {  	s3 =	sshrl.u32 @!p1 s18, $0x3;
	[sflag:s14] =	ssyncset.done $0x0  }
0xe7: {  	s21 =	simm.s32 @!p1 $0x0;
	s3 =	sadd.s32 @!p1 s5, s3;
	[sflag:s14] =	ssyncadd.s32 $0xFFFFC400  }
0xe8: {  	[tilespmem:s21], [sflag:$0x1] =	stream.linear.gather @!p1 [hbm4b:s3+s21], $0x100, $0x38;
	[tilespmem:$0x1FA00] =	vst v63  }
0xe9: {  	_ =	swait.ge [sflag:s17], $0x3C00  }
0xea: {  	[sflag:s17] =	ssyncset.done $0x0  }
0xeb: {  	s16 =	rddreg [dreg:$0xa];
	[sflag:s17] =	ssyncadd.s32 $0xFFFFC400  }
0xec: {  	[spmem:s2] =	stream.indirect.scatter.add.f32 [tilespmem:s22], [sflag:$0xB], $0x80, s16, s11, $0xb8;
	[tilespmem:$0x1FA00] =	vst v63  }
0xed: {  	_ =	swait.ge [sflag:s23], $0x100  }
0xee: {  	[sflag:s23] =	ssyncset.done $0x0  }
0xef: {  	[sflag:s23] =	ssyncadd.s32 $0xFFFFFF00  }
0xf0: {  	[tilespmem:s0], [sflag:$0x7] =	stream.indirect.gather [hbm4b:s1+s11], $0x80, s7, s11, $0xb8;
	[tilespmem:$0x1FA00] =	vst v63  }
0xf1: {  	_ =	swait.ge [sflag:s24], $0x3C00  }
0xf2: {  	s3 =	rddreg [dreg:$0x5];
	[sflag:s24] =	ssyncset.done $0x0  }
0xf3: {  	s6 =	simm.s32 @!p1 $0x100;
	[sflag:s24] =	ssyncadd.s32 $0xFFFFC400;
	s3 =	sadd.s32 @!p1 s15, s3  }
0xf4: {  	[tilespmem:s6], [sflag:$0x2] =	stream.linear.gather @!p1 [hbm4b:s3+s21], $0x100, $0x38;
	[tilespmem:$0x1FA00] =	vst v63  }
0xf5: {  	_ =	swait.ge [sflag:s26], $0x3C00  }
0xf6: {  	[sflag:s26] =	ssyncset.done $0x0  }
0xf7: {  	s25 =	rddreg [dreg:$0xb];
	[sflag:s26] =	ssyncadd.s32 $0xFFFFC400  }
0xf8: {  	[spmem:s2] =	stream.indirect.scatter.add.f32 [tilespmem:s13], [sflag:$0xC], $0x80, s25, s11, $0xb8;
	[tilespmem:$0x1FA00] =	vst v63  }
0xf9: {  	_ =	swait.ge [sflag:s28], $0x100  }
0xfa: {  	[sflag:s28] =	ssyncset.done $0x0  }
0xfb: {  	[sflag:s28] =	ssyncadd.s32 $0xFFFFFF00  }
0xfc: {  	[tilespmem:s22], [sflag:$0x8] =	stream.indirect.gather [hbm4b:s1+s11], $0x80, s8, s11, $0xb8;
	[tilespmem:$0x1FA00] =	vst v63  }
0xfd: {  	s20 =	smov.u32 s19;
	_ =	swait.ge [sflag:s29], $0x3C00  }
0xfe: {  	s19 =	sadd.s32 $0xC0, s19;
	s3 =	rddreg [dreg:$0x4];
	[sflag:s29] =	ssyncset.done $0x0  }
0xff: {  	s6 =	simm.s32 @!p1 $0x200;
	[sflag:s29] =	ssyncadd.s32 $0xFFFFC400;
	s3 =	sadd.s32 @!p1 s15, s3  }
0x100: {  	[tilespmem:s6], [sflag:$0x3] =	stream.linear.gather @!p1 [hbm4b:s3+s21], $0x100, $0x38;
	[tilespmem:$0x1FA00] =	vst v63  }
0x101: {  	p0 =	sne.s32 s19, $0xA80;
	_ =	swait.ge [sflag:s10], $0x3C00  }
.Ltmp0:
0x102: {  	[sflag:s10] =	ssyncset.done $0x0;
	(pc) =	sbr.rel @p0 .LBB2_2-.Ltmp0, $4  }
0x103: {  	s31 =	rddreg [dreg:$0xc];
	[sflag:s10] =	ssyncadd.s32 $0xFFFFC400  }
0x104: {  	[spmem:s2] =	stream.indirect.scatter.add.f32 [tilespmem:s0], [sflag:$0xA], $0x80, s31, s11, $0xb8;
	[tilespmem:$0x1FA00] =	vst v63  }
0x105: {  	s15 =	smov.u32 s20;
	_ =	swait.ge [sflag:s30], $0x100  }
0x106: {  	s18 =	sadd.s32 $0x600, s18;
	p1 =	seq.s32 s15, $0x0;
	[sflag:s30] =	ssyncset.done $0x0  }
0x107: {  	s3 =	simm.s32 @!p1 $0xA;
	[sflag:s30] =	ssyncadd.s32 $0xFFFFFF00  }
0x108: {  	[tilespmem:s13], [sflag:$0x9] =	stream.indirect.gather [hbm4b:s1+s11], $0x80, s9, s11, $0xb8;
	[tilespmem:$0x1FA00] =	vst v63  }
0x109: {  	_ =	swait.ge @!p1 [sflag:s3], $0x3C00  }
0x10a: {  	s6 =	rddreg [dreg:$0x8];
	[sflag:s3] =	ssyncset.done @!p1 $0x0  }
0x10b: {  	[sflag:s3] =	ssyncadd.s32 @!p1 $0xFFFFC400;
	s21 =	sadd.s32 s15, s6;
	s6 =	simm.s32 @p1 $0x1  }
0x10c: {  	[tilespmem:s7], [sflag:$0x4] =	stream.linear.gather [hbm4b:s21+s4], $0x100, $0x38;
	[tilespmem:$0x1FA00] =	vst v63  }
0x10d: {  	_ =	swait.ge @p1 [sflag:s6], $0x100  }
0x10e: {  	s16 =	simm.s32 @!p1 $0x8;
	s19 =	simm.s32 @p1 $0x0;
	[sflag:s6] =	ssyncset.done @p1 $0x0  }
0x10f: {  	s3 =	simm.s32 @p1 $0x600;
	[sflag:s6] =	ssyncadd.s32 @p1 $0xFFFFFF00;
	s6 =	simm.s32 @p1 $0x78  }
0x110: {  	[tilespmem:s3], [sflag:$0x7] =	stream.indirect.gather @p1 [hbm4b:s1+s6], $0x80, s19, s6, $0xb8;
	[tilespmem:$0x1FA00] =	vst v63  }
0x111: {  	_ =	swait.ge @!p1 [sflag:s16], $0x3C00  }
0x112: {  	s20 =	simm.s32 @!p1 $0x480;
	s3 =	simm.s32 @!p1 $0x4200;
	[sflag:s16] =	ssyncset.done @!p1 $0x0  }
0x113: {  	s19 =	simm.s32 @!p1 $0x1;
	[sflag:s16] =	ssyncadd.s32 @!p1 $0xFFFFC400;
	s16 =	simm.s32 @!p1 $0x78  }
0x114: {  	[spmem:s2] =	stream.indirect.scatter.add.f32 @!p1 [tilespmem:s3], [sflag:$0xB], $0x80, s20, s16, $0xb8;
	[tilespmem:$0x1FA00] =	vst v63  }
0x115: {  	_ =	swait.ge @!p1 [sflag:s19], $0x100  }
0x116: {  	[sflag:s19] =	ssyncset.done @!p1 $0x0  }
0x117: {  	s20 =	simm.s32 @!p1 $0x600;
	[sflag:s19] =	ssyncadd.s32 @!p1 $0xFFFFFF00;
	s19 =	simm.s32 @!p1 $0x0  }
0x118: {  	[tilespmem:s20], [sflag:$0x7] =	stream.indirect.gather @!p1 [hbm4b:s1+s16], $0x80, s19, s16, $0xb8;
	[tilespmem:$0x1FA00] =	vst v63  }
0x119: {  	s19 =	simm.s32 @!p1 $0xB  }
0x11a: {  	_ =	swait.ge @!p1 [sflag:s19], $0x3C00  }
0x11b: {  	s25 =	rddreg [dreg:$0x7];
	[sflag:s19] =	ssyncset.done @!p1 $0x0  }
0x11c: {  	s20 =	simm.s32 @p1 $0x2;
	[sflag:s19] =	ssyncadd.s32 @!p1 $0xFFFFC400;
	s31 =	sadd.s32 s15, s25  }
0x11d: {  	[tilespmem:s8], [sflag:$0x5] =	stream.linear.gather [hbm4b:s31+s4], $0x100, $0x38;
	[tilespmem:$0x1FA00] =	vst v63  }
0x11e: {  	_ =	swait.ge @p1 [sflag:s20], $0x100  }
0x11f: {  	[sflag:s20] =	ssyncset.done @p1 $0x0  }
0x120: {  	s19 =	simm.s32 @p1 $0x100;
	[sflag:s20] =	ssyncadd.s32 @p1 $0xFFFFFF00;
	s20 =	simm.s32 @p1 $0x4200  }
0x121: {  	[tilespmem:s20], [sflag:$0x8] =	stream.indirect.gather @p1 [hbm4b:s1+s6], $0x80, s19, s6, $0xb8;
	[tilespmem:$0x1FA00] =	vst v63  }
0x122: {  	s6 =	simm.s32 @!p1 $0x9  }
0x123: {  	_ =	swait.ge @!p1 [sflag:s6], $0x3C00  }
0x124: {  	[sflag:s6] =	ssyncset.done @!p1 $0x0  }
0x125: {  	s19 =	simm.s32 @!p1 $0x7E00;
	[sflag:s6] =	ssyncadd.s32 @!p1 $0xFFFFC400;
	s6 =	simm.s32 @!p1 $0x580  }
0x126: {  	[spmem:s2] =	stream.indirect.scatter.add.f32 @!p1 [tilespmem:s19], [sflag:$0xC], $0x80, s6, s16, $0xb8;
	[tilespmem:$0x1FA00] =	vst v63  }
0x127: {  	s6 =	simm.s32 @!p1 $0x2  }
0x128: {  	_ =	swait.ge @!p1 [sflag:s6], $0x100  }
0x129: {  	[sflag:s6] =	ssyncset.done @!p1 $0x0  }
0x12a: {  	[sflag:s6] =	ssyncadd.s32 @!p1 $0xFFFFFF00;
	s6 =	simm.s32 @!p1 $0x100  }
0x12b: {  	[tilespmem:s3], [sflag:$0x8] =	stream.indirect.gather @!p1 [hbm4b:s1+s16], $0x80, s6, s16, $0xb8;
	[tilespmem:$0x1FA00] =	vst v63  }
0x12c: {  	s3 =	simm.s32 @!p1 $0xC  }
0x12d: {  	_ =	swait.ge @!p1 [sflag:s3], $0x3C00  }
0x12e: {  	s16 =	rddreg [dreg:$0x6];
	[sflag:s3] =	ssyncset.done @!p1 $0x0  }
0x12f: {  	[sflag:s3] =	ssyncadd.s32 @!p1 $0xFFFFC400;
	s19 =	sadd.s32 s15, s16  }
0x130: {  	[tilespmem:s9], [sflag:$0x6] =	stream.linear.gather [hbm4b:s19+s4], $0x100, $0x38;
	[tilespmem:$0x1FA00] =	vst v63  }
0x131: {  	_ =	swait.ge [sflag:s10], $0x3C00  }
0x132: {  	[sflag:s10] =	ssyncset.done $0x0  }
0x133: {  	s20 =	rddreg [dreg:$0x9];
	[sflag:s10] =	ssyncadd.s32 $0xFFFFC400  }
0x134: {  	[spmem:s2] =	stream.indirect.scatter.add.f32 [tilespmem:s0], [sflag:$0xA], $0x80, s20, s11, $0xb8;
	[tilespmem:$0x1FA00] =	vst v63  }
0x135: {  	_ =	swait.ge [sflag:s12], $0x100  }
0x136: {  	[sflag:s12] =	ssyncset.done $0x0  }
0x137: {  	s21 =	simm.s32 $0x200;
	[sflag:s12] =	ssyncadd.s32 $0xFFFFFF00  }
0x138: {  	[tilespmem:s13], [sflag:$0x9] =	stream.indirect.gather [hbm4b:s1+s11], $0x80, s21, s11, $0xb8;
	[tilespmem:$0x1FA00] =	vst v63  }
0x139: {  	p0 =	seq.s32 s15, $0x9C0;
	_ =	swait.ge [sflag:s14], $0x3C00  }
0x13a: {  	s3 =	sshrl.u32 @!p0 s18, $0x3;
	[sflag:s14] =	ssyncset.done $0x0  }
0x13b: {  	s6 =	simm.s32 @!p0 $0x0;
	s3 =	sadd.s32 @!p0 s5, s3;
	[sflag:s14] =	ssyncadd.s32 $0xFFFFC400  }
0x13c: {  	[tilespmem:s6], [sflag:$0x1] =	stream.linear.gather @!p0 [hbm4b:s3+s6], $0x100, $0x38;
	[tilespmem:$0x1FA00] =	vst v63  }
0x13d: {  	_ =	swait.ge [sflag:s17], $0x3C00  }
0x13e: {  	[sflag:s17] =	ssyncset.done $0x0  }
0x13f: {  	s25 =	rddreg [dreg:$0xa];
	[sflag:s17] =	ssyncadd.s32 $0xFFFFC400  }
0x140: {  	[spmem:s2] =	stream.indirect.scatter.add.f32 [tilespmem:s22], [sflag:$0xB], $0x80, s25, s11, $0xb8;
	[tilespmem:$0x1FA00] =	vst v63  }
0x141: {  	_ =	swait.ge [sflag:s23], $0x100  }
0x142: {  	[sflag:s23] =	ssyncset.done $0x0  }
0x143: {  	[sflag:s23] =	ssyncadd.s32 $0xFFFFFF00  }
0x144: {  	[tilespmem:s0], [sflag:$0x7] =	stream.indirect.gather [hbm4b:s1+s11], $0x80, s7, s11, $0xb8;
	[tilespmem:$0x1FA00] =	vst v63  }
0x145: {  	_ =	swait.ge [sflag:s24], $0x3C00  }
0x146: {  	s3 =	rddreg [dreg:$0x5];
	[sflag:s24] =	ssyncset.done $0x0  }
0x147: {  	s16 =	simm.s32 @!p0 $0x100;
	[sflag:s24] =	ssyncadd.s32 $0xFFFFC400;
	s3 =	sadd.s32 @!p0 s15, s3  }
0x148: {  	[tilespmem:s16], [sflag:$0x2] =	stream.linear.gather @!p0 [hbm4b:s3+s6], $0x100, $0x38;
	[tilespmem:$0x1FA00] =	vst v63  }
0x149: {  	_ =	swait.ge [sflag:s26], $0x3C00  }
0x14a: {  	[sflag:s26] =	ssyncset.done $0x0  }
0x14b: {  	s31 =	rddreg [dreg:$0xb];
	[sflag:s26] =	ssyncadd.s32 $0xFFFFC400  }
0x14c: {  	[spmem:s2] =	stream.indirect.scatter.add.f32 [tilespmem:s13], [sflag:$0xC], $0x80, s31, s11, $0xb8;
	[tilespmem:$0x1FA00] =	vst v63  }
0x14d: {  	_ =	swait.ge [sflag:s28], $0x100  }
0x14e: {  	[sflag:s28] =	ssyncset.done $0x0  }
0x14f: {  	[sflag:s28] =	ssyncadd.s32 $0xFFFFFF00  }
0x150: {  	[tilespmem:s22], [sflag:$0x8] =	stream.indirect.gather [hbm4b:s1+s11], $0x80, s8, s11, $0xb8;
	[tilespmem:$0x1FA00] =	vst v63  }
0x151: {  	_ =	swait.ge [sflag:s29], $0x3C00  }
0x152: {  	s3 =	rddreg [dreg:$0x4];
	[sflag:s29] =	ssyncset.done $0x0  }
0x153: {  	[sflag:s29] =	ssyncadd.s32 $0xFFFFC400;
	s3 =	sadd.s32 @!p0 s15, s3;
	s15 =	simm.s32 @!p0 $0x200  }
0x154: {  	[tilespmem:s15], [sflag:$0x3] =	stream.linear.gather @!p0 [hbm4b:s3+s6], $0x100, $0x38;
	[tilespmem:$0x1FA00] =	vst v63  }
0x155: {  	_ =	swait.ge [sflag:s10], $0x3C00  }
0x156: {  	[sflag:s10] =	ssyncset.done $0x0  }
0x157: {  	s16 =	rddreg [dreg:$0xc];
	[sflag:s10] =	ssyncadd.s32 $0xFFFFC400  }
0x158: {  	[spmem:s2] =	stream.indirect.scatter.add.f32 [tilespmem:s0], [sflag:$0xA], $0x80, s16, s11, $0xb8;
	[tilespmem:$0x1FA00] =	vst v63  }
0x159: {  	_ =	swait.ge [sflag:s30], $0x100  }
0x15a: {  	[sflag:s30] =	ssyncset.done $0x0  }
0x15b: {  	[sflag:s30] =	ssyncadd.s32 $0xFFFFFF00  }
0x15c: {  	[tilespmem:s13], [sflag:$0x9] =	stream.indirect.gather [hbm4b:s1+s11], $0x80, s9, s11, $0xb8;
	[tilespmem:$0x1FA00] =	vst v63  }
0x15d: {  	_ =	swait.ge [sflag:s14], $0x3C00  }
0x15e: {  	[sflag:s14] =	ssyncset.done $0x0  }
0x15f: {  	[sflag:s14] =	ssyncadd.s32 $0xFFFFC400  }
0x160: {  	_ =	swait.ge [sflag:s17], $0x3C00  }
0x161: {  	[sflag:s17] =	ssyncset.done $0x0  }
0x162: {  	s18 =	simm.s32 $0x480;
	s15 =	simm.s32 $0xD;
	[sflag:s17] =	ssyncadd.s32 $0xFFFFC400  }
0x163: {  	[spmem:s2] =	stream.indirect.scatter.add.f32 [tilespmem:s22], [sflag:$0xD], $0x80, s18, s11, $0xb8;
	[tilespmem:$0x1FA00] =	vst v63  }
0x164: {  	_ =	swait.ge [sflag:s15], $0x3C00  }
0x165: {  	[sflag:s15] =	ssyncset.done $0x0  }
0x166: {  	[sflag:s15] =	ssyncadd.s32 $0xFFFFC400  }
0x167: {  	_ =	swait.ge [sflag:s26], $0x3C00  }
0x168: {  	[sflag:s26] =	ssyncset.done $0x0  }
0x169: {  	s19 =	simm.s32 $0x580;
	[sflag:s26] =	ssyncadd.s32 $0xFFFFC400  }
0x16a: {  	[spmem:s2] =	stream.indirect.scatter.add.f32 [tilespmem:s13], [sflag:$0xD], $0x80, s19, s11, $0xb8;
	[tilespmem:$0x1FA00] =	vst v63  }
0x16b: {  	_ =	swait.ge [sflag:s15], $0x3C00  }
0x16c: {  	[sflag:s15] =	ssyncset.done $0x0  }
0x16d: {  	[sflag:s15] =	ssyncadd.s32 $0xFFFFC400  }
0x16e: {  	[bflag:$0x0] =	sbarrier.arrive $0xFFFF  }
0x16f: {  	s16 =	rddreg [dreg:$0x17]  }
0x170: {  	[tilespmem:s0], [sflag:$0xD] =	stream.linear.gather [spmem:s16], $0x2800, $0x38;
	[tilespmem:$0x1FA00] =	vst v63  }
0x171: {  	_ =	swait.ge [sflag:s15], $0x2800  }
0x172: {  	[sflag:s15] =	ssyncset.done $0x0  }
0x173: {  	s20 =	rddreg [dreg:$0xd];
	[sflag:s15] =	ssyncadd.s32 $0xFFFFD800  }
0x174: {  	[hbm4b:s20+s4] =	stream.linear.scatter [tilespmem:s0], [sflag:$0xD], $0x2800, $0x38;
	[tilespmem:$0x1FA00] =	vst v63  }
0x175: {  	_ =	swait.ge [sflag:s15], $0x2800  }
0x176: {  	[sflag:s15] =	ssyncset.done $0x0  }
0x177: {  	s6 =	rddreg [dreg:$0x19];
	[sflag:s15] =	ssyncadd.s32 $0xFFFFD800  }
0x178: {  	[tilespmem:s22], [sflag:$0xD] =	stream.linear.gather [spmem:s6], $0x2800, $0x38;
	[tilespmem:$0x1FA00] =	vst v63  }
0x179: {  	_ =	swait.ge [sflag:s15], $0x2800  }
0x17a: {  	[sflag:s15] =	ssyncset.done $0x0  }
0x17b: {  	s21 =	rddreg [dreg:$0xe];
	[sflag:s15] =	ssyncadd.s32 $0xFFFFD800  }
0x17c: {  	[hbm4b:s21+s4] =	stream.linear.scatter [tilespmem:s22], [sflag:$0xD], $0x2800, $0x38;
	[tilespmem:$0x1FA00] =	vst v63  }
0x17d: {  	_ =	swait.ge [sflag:s15], $0x2800  }
0x17e: {  	[sflag:s15] =	ssyncset.done $0x0  }
0x17f: {  	s18 =	rddreg [dreg:$0x1a];
	[sflag:s15] =	ssyncadd.s32 $0xFFFFD800  }
0x180: {  	[tilespmem:s0], [sflag:$0xD] =	stream.linear.gather [spmem:s18], $0x2800, $0x38;
	[tilespmem:$0x1FA00] =	vst v63  }
0x181: {  	_ =	swait.ge [sflag:s15], $0x2800  }
0x182: {  	[sflag:s15] =	ssyncset.done $0x0  }
0x183: {  	s25 =	rddreg [dreg:$0xf];
	[sflag:s15] =	ssyncadd.s32 $0xFFFFD800  }
0x184: {  	[hbm4b:s25+s4] =	stream.linear.scatter [tilespmem:s0], [sflag:$0xD], $0x2800, $0x38;
	[tilespmem:$0x1FA00] =	vst v63  }
0x185: {  	_ =	swait.ge [sflag:s15], $0x2800  }
0x186: {  	[sflag:s15] =	ssyncset.done $0x0  }
0x187: {  	s31 =	rddreg [dreg:$0x1d];
	[sflag:s15] =	ssyncadd.s32 $0xFFFFD800  }
0x188: {  	[tilespmem:s22], [sflag:$0xD] =	stream.linear.gather [spmem:s31], $0x2800, $0x38;
	[tilespmem:$0x1FA00] =	vst v63  }
0x189: {  	_ =	swait.ge [sflag:s15], $0x2800  }
0x18a: {  	[sflag:s15] =	ssyncset.done $0x0  }
0x18b: {  	s19 =	rddreg [dreg:$0x10];
	[sflag:s15] =	ssyncadd.s32 $0xFFFFD800  }
0x18c: {  	[hbm4b:s19+s4] =	stream.linear.scatter [tilespmem:s22], [sflag:$0xD], $0x2800, $0x38;
	[tilespmem:$0x1FA00] =	vst v63  }
0x18d: {  	_ =	swait.ge [sflag:s15], $0x2800  }
0x18e: {  	[sflag:s15] =	ssyncset.done $0x0  }
0x18f: {  	s19 =	rddreg [dreg:$0x1b];
	[sflag:s15] =	ssyncadd.s32 $0xFFFFD800  }
0x190: {  	[tilespmem:s0], [sflag:$0xD] =	stream.linear.gather [spmem:s19], $0x2800, $0x38;
	[tilespmem:$0x1FA00] =	vst v63  }
0x191: {  	_ =	swait.ge [sflag:s15], $0x2800  }
0x192: {  	[sflag:s15] =	ssyncset.done $0x0  }
0x193: {  	s20 =	rddreg [dreg:$0x11];
	[sflag:s15] =	ssyncadd.s32 $0xFFFFD800  }
0x194: {  	[hbm4b:s20+s4] =	stream.linear.scatter [tilespmem:s0], [sflag:$0xD], $0x2800, $0x38;
	[tilespmem:$0x1FA00] =	vst v63  }
0x195: {  	_ =	swait.ge [sflag:s15], $0x2800  }
0x196: {  	[sflag:s15] =	ssyncset.done $0x0  }
0x197: {  	s21 =	rddreg [dreg:$0x1e];
	[sflag:s15] =	ssyncadd.s32 $0xFFFFD800  }
0x198: {  	[tilespmem:s22], [sflag:$0xD] =	stream.linear.gather [spmem:s21], $0x2800, $0x38;
	[tilespmem:$0x1FA00] =	vst v63  }
0x199: {  	_ =	swait.ge [sflag:s15], $0x2800  }
0x19a: {  	[sflag:s15] =	ssyncset.done $0x0  }
0x19b: {  	s25 =	rddreg [dreg:$0x12];
	[sflag:s15] =	ssyncadd.s32 $0xFFFFD800  }
0x19c: {  	[hbm4b:s25+s4] =	stream.linear.scatter [tilespmem:s22], [sflag:$0xD], $0x2800, $0x38;
	[tilespmem:$0x1FA00] =	vst v63  }
0x19d: {  	_ =	swait.ge [sflag:s15], $0x2800  }
0x19e: {  	[sflag:s15] =	ssyncset.done $0x0  }
0x19f: {  	s20 =	rddreg [dreg:$0x1c];
	[sflag:s15] =	ssyncadd.s32 $0xFFFFD800  }
0x1a0: {  	[tilespmem:s0], [sflag:$0xD] =	stream.linear.gather [spmem:s20], $0x2800, $0x38;
	[tilespmem:$0x1FA00] =	vst v63  }
0x1a1: {  	_ =	swait.ge [sflag:s15], $0x2800  }
0x1a2: {  	[sflag:s15] =	ssyncset.done $0x0  }
0x1a3: {  	s31 =	rddreg [dreg:$0x13];
	[sflag:s15] =	ssyncadd.s32 $0xFFFFD800  }
0x1a4: {  	[hbm4b:s31+s4] =	stream.linear.scatter [tilespmem:s0], [sflag:$0xD], $0x2800, $0x38;
	[tilespmem:$0x1FA00] =	vst v63  }
0x1a5: {  	_ =	swait.ge [sflag:s15], $0x2800  }
0x1a6: {  	[sflag:s15] =	ssyncset.done $0x0  }
0x1a7: {  	s21 =	rddreg [dreg:$0x1f];
	[sflag:s15] =	ssyncadd.s32 $0xFFFFD800  }
0x1a8: {  	[tilespmem:s22], [sflag:$0xD] =	stream.linear.gather [spmem:s21], $0x2800, $0x38;
	[tilespmem:$0x1FA00] =	vst v63  }
0x1a9: {  	_ =	swait.ge [sflag:s15], $0x2800  }
0x1aa: {  	[sflag:s15] =	ssyncset.done $0x0  }
0x1ab: {  	s25 =	rddreg [dreg:$0x14];
	[sflag:s15] =	ssyncadd.s32 $0xFFFFD800  }
0x1ac: {  	[hbm4b:s25+s4] =	stream.linear.scatter [tilespmem:s22], [sflag:$0xD], $0x2800, $0x38;
	[tilespmem:$0x1FA00] =	vst v63  }
0x1ad: {  	_ =	swait.ge [sflag:s15], $0x2800  }
0x1ae: {  	s21 =	sld [smem:$0x7F7];
	_ =	sdelay $0x2  }
0x1af: {  	s31 =	rddreg [dreg:$0x18];
	s21 =	sadd.s32 $0x1, s21  }
0x1b0: {  	p0 =	sne.s32 s21, s31  }
.Ltmp1:
0x1b1: {  	_ = 	snop;
	(pc) =	sbr.rel @p0 .LBB2_1-.Ltmp1, $3  }
0x1b2: {  	_ =	sdelay $0x1  }
0x1b3: {  	[sflag:s15] =	ssyncset.done $0x0  }
0x1b4: {  	[sflag:s15] =	ssyncadd.s32 $0xFFFFD800  }
0x1b5: {  	_ =	sfence.sel $0x180000  }
0x1b6: {  	[bflag:$0x0] =	sbarrier.arrive $0xFFFF  }
0x1b7: {  	_ =	strace $0x9000004A  }
0x1b8: {  	s0 =	stileid.u32;
	[bflag:$0x2] =	sbarrier.arrive $0xFFFF  }
0x1b9: {  	p0 =	sne.s32 s0, $0x0;
	s0 =	rddreg [dreg:$0x3]  }
0x1ba: {  	s0 =	sadd.s32 @!p0 $0x100000, s0  }
0x1bb: {  	[sflag:s0] =	ssyncadd.tile.s32 @!p0 $0x1;
	_ =	shalt  }
.Lfunc_end2:
_tile_overlayer_lowered:
.L_overlay_start_2:
0x1bc: {  	(tag) =	ssettag $0x2  }
0x1bd: {  	s0 =	rddreg [dreg:$0x0];
	s2 =	stileid.u32  }
0x1be: {  	s1 =	rddreg [dreg:$0x1];
	p0 =	sne.s32 s2, $0x0  }
0x1bf: {  	s3 =	rddreg [dreg:$0x2];
	[bflag:$0x3] =	sbarrier.arrive $0xFFFF;
	s2 =	simm.s32 @!p0 $0x1C0D  }
0x1c0: {  	[timem:s3], [sflag:s2] =	dma.local @!p0 [hbm:s0], s1  }
0x1c1: {  	s0 =	simm.s32 @!p0 $0xD  }
0x1c2: {  	_ =	swait.ge @!p0 [sflag:s0], s1  }
0x1c3: {  	s1 =	ssub.s32 @!p0 $0x0, s1;
	[sflag:s0] =	ssyncset.done @!p0 $0x0  }
0x1c4: {  	[sflag:s0] =	ssyncadd.s32 @!p0 s1  }
0x1c5: {  	[bflag:$0x3] =	sbarrier.arrive $0xFFFF  }
0x1c6: {  	_ =	shalt  }

</sc_bundles>
